<compile_context>
chip_gen: v7x
topology: tpu7x:2x2x1
jax: 0.10.2.dev20260603
libtpu: 0.0.44.dev20260713+nightly
codegen_flags: <defaults>
</compile_context>

<pallas_src>
import jax
import jax.numpy as jnp
from jax import lax
from jax.experimental import pallas as pl
from jax.experimental.pallas import tpu as pltpu
from jax.experimental.pallas import tpu_sc as plsc

DIM = 1024
OUT_ROWS = 4096
MAX_ROWS = 8192
G = 8
NC = 2
NS = 16
NW = NC * NS
ROWS_PER_W = OUT_ROWS // NW
CHUNK_R = 32
NCH = ROWS_PER_W // CHUNK_R
NBUF = 3
CHUNK_G = CHUNK_R // G
GROUPS_PER_W = ROWS_PER_W // G
_ACHUNKS = ((0, 2), (2, 4), (6, 4), (10, 4), (14, 2))


def _sc_slice(vec_hbm, t2_hbm, o3_hbm, vec_v, idx_v,
              buf0, buf1, buf2,
              vsem, in_s0, in_s1, in_s2, out_s0, out_s1, out_s2):
    bufs = (buf0, buf1, buf2)
    in_sems = (in_s0, in_s1, in_s2)
    out_sems = (out_s0, out_s1, out_s2)
    wid = lax.axis_index("s") * NC + lax.axis_index("c")
    base = wid * ROWS_PER_W
    gbase = wid * GROUPS_PER_W
    pltpu.async_copy(vec_hbm, vec_v, vsem).wait()
    v = vec_v[...]
    q = v[0]
    r = v[1]

    def run_ring(start_in, start_out, nch):
        in_cp = [start_in(c) for c in range(NBUF)]
        out_cp = [None] * NBUF
        for c in range(nch):
            b = c % NBUF
            if c >= NBUF:
                out_cp[b].wait()
                in_cp[b] = start_in(c)
            in_cp[b].wait()
            out_cp[b] = start_out(c)
        for c in range(nch - NBUF, nch):
            out_cp[c % NBUF].wait()

    t3_hbm = t2_hbm.reshape(MAX_ROWS // G, G, DIM)

    @pl.when(r == 0)
    def _aligned():
        def start_in(c):
            off, sz = _ACHUNKS[c]
            return pltpu.async_copy(
                t3_hbm.at[pl.ds(q + gbase + off, sz), :, :],
                bufs[c % NBUF].at[pl.ds(0, sz)], in_sems[c % NBUF])

        def start_out(c):
            off, sz = _ACHUNKS[c]
            return pltpu.async_copy(
                bufs[c % NBUF].at[pl.ds(0, sz)],
                o3_hbm.at[pl.ds(gbase + off, sz), :, :],
                out_sems[c % NBUF])
        run_ring(start_in, start_out, len(_ACHUNKS))

    @pl.when(r != 0)
    def _unaligned():
        row0 = q * G + r + base
        for k in range(ROWS_PER_W // 16):
            idx_v[pl.ds(k * 16, 16)] = row0 + k * 16 + lax.iota(jnp.int32, 16)

        def start_in(c):
            return pltpu.async_copy(
                t2_hbm.at[idx_v.at[pl.ds(c * CHUNK_R, CHUNK_R)]],
                bufs[c % NBUF].reshape(CHUNK_R, DIM), in_sems[c % NBUF])

        def start_out(c):
            return pltpu.async_copy(
                bufs[c % NBUF],
                o3_hbm.at[pl.ds(gbase + c * CHUNK_G, CHUNK_G), :, :],
                out_sems[c % NBUF])
        run_ring(start_in, start_out, NCH)


def kernel(pos_embedding, length):
    start = jnp.clip(jnp.asarray(length, jnp.int32) - OUT_ROWS,
                     0, MAX_ROWS - OUT_ROWS)
    vec = jnp.where(lax.iota(jnp.int32, 16) == 1, start % G, start // G)
    mesh = plsc.VectorSubcoreMesh(core_axis_name="c", subcore_axis_name="s")
    o3 = pl.kernel(
        _sc_slice,
        out_type=jax.ShapeDtypeStruct((OUT_ROWS // G, G, DIM), jnp.float32),
        mesh=mesh,
        scratch_types=[
            pltpu.VMEM((16,), jnp.int32),
            pltpu.VMEM((ROWS_PER_W,), jnp.int32),
            pltpu.VMEM((CHUNK_G, G, DIM), jnp.float32),
            pltpu.VMEM((CHUNK_G, G, DIM), jnp.float32),
            pltpu.VMEM((CHUNK_G, G, DIM), jnp.float32),
            pltpu.SemaphoreType.DMA,
            pltpu.SemaphoreType.DMA,
            pltpu.SemaphoreType.DMA,
            pltpu.SemaphoreType.DMA,
            pltpu.SemaphoreType.DMA,
            pltpu.SemaphoreType.DMA,
            pltpu.SemaphoreType.DMA,
        ],
    )(vec, pos_embedding)
    return o3.reshape(OUT_ROWS, DIM)

# --- scband reference (transcript-rebuilt; emitter-appended) ---
"""Pipeline reference for scband-relative-positional-encoding-37314675867710 (READ-ONLY COPY).

The authoritative reference and input builder live on the scoring server;
editing this copy changes nothing except your own understanding.
"""

import jax, jax.numpy as jnp
import numpy as np

DIM = 1024
MAX_LENGTH = 8192
LENGTH = 4096

def _get_pos_encoding(max_length, d_model):
    # Vectorized, numerically identical to the original double loop for even d_model
    pos = np.arange(max_length, dtype=np.float64)[:, None]
    i = np.arange(0, d_model, 2, dtype=np.float64)[None, :]
    angle = pos / np.power(10000.0, i / float(d_model))
    pe = np.zeros((max_length, d_model), dtype=np.float64)
    pe[:, 0::2] = np.sin(angle)
    pe[:, 1::2] = np.cos(angle)
    return pe.astype(np.float32)

def setup_inputs() -> dict:
    pos_embedding = jnp.asarray(_get_pos_encoding(MAX_LENGTH, DIM))
    return {"pos_embedding": pos_embedding, "length": LENGTH}

def reference(pos_embedding, length):
    # Faithful translation of call(length): slice of the learned table
    start = length - LENGTH
    return jax.lax.dynamic_slice_in_dim(pos_embedding, start, LENGTH, axis=0)

if __name__ == "__main__":
    import jax
    _d = setup_inputs()
    print(jax.jit(kernel)(*tuple(_d.values())))

</pallas_src>

<mosaic_0001>
#map = affine_map<(d0, d1) -> (0)>
#map1 = affine_map<(d0, d1) -> (0, 0)>
#map2 = affine_map<(d0, d1) -> (0, 0, 0)>
module attributes {stable_mosaic.version = 14 : i64} {
  func.func @_sc_slice(%arg0: i32, %arg1: i32, %arg2: memref<16xi32, #tpu.memory_space<hbm>>, %arg3: memref<8192x1024xf32, #tpu.memory_space<hbm>>, %arg4: memref<512x8x1024xf32, #tpu.memory_space<hbm>>, %arg5: memref<16xi32, #tpu.memory_space<vmem>>, %arg6: memref<128xi32, #tpu.memory_space<vmem>>, %arg7: memref<4x8x1024xf32, #tpu.memory_space<vmem>>, %arg8: memref<4x8x1024xf32, #tpu.memory_space<vmem>>, %arg9: memref<4x8x1024xf32, #tpu.memory_space<vmem>>, %arg10: memref<!tpu.dma_semaphore, #tpu.memory_space<semaphore_mem>>, %arg11: memref<!tpu.dma_semaphore, #tpu.memory_space<semaphore_mem>>, %arg12: memref<!tpu.dma_semaphore, #tpu.memory_space<semaphore_mem>>, %arg13: memref<!tpu.dma_semaphore, #tpu.memory_space<semaphore_mem>>, %arg14: memref<!tpu.dma_semaphore, #tpu.memory_space<semaphore_mem>>, %arg15: memref<!tpu.dma_semaphore, #tpu.memory_space<semaphore_mem>>, %arg16: memref<!tpu.dma_semaphore, #tpu.memory_space<semaphore_mem>>) attributes {dimension_semantics = [#tpu.dimension_semantics<core_parallel>, #tpu.dimension_semantics<subcore_parallel>], iteration_bounds = array<i64: 2, 16>, scalar_prefetch = 0 : i64, scratch_operands = 12 : i64, tpu.core_type = #tpu.core_type<sc_vector_subcore>, window_params = [{transform_indices = #map}, {transform_indices = #map1}, {transform_indices = #map2}]} {
    %mul3A = arith.constant 2 : i32
    %mul3A_0 = arith.muli %arg1, %mul3A : i32
    %add3A = arith.addi %mul3A_0, %arg0 : i32
    %mul3A_1 = arith.constant 128 : i32
    %mul3A_2 = arith.muli %add3A, %mul3A_1 : i32
    %mul3A_3 = arith.constant 16 : i32
    %mul3A_4 = arith.muli %add3A, %mul3A_3 : i32
    tpu.enqueue_dma source(%arg2 : memref<16xi32, #tpu.memory_space<hbm>>) target(%arg5 : memref<16xi32, #tpu.memory_space<vmem>>) target_semaphore(%arg10 : memref<!tpu.dma_semaphore, #tpu.memory_space<semaphore_mem>>)
    tpu.wait_dma2 semaphore(%arg10 : memref<!tpu.dma_semaphore, #tpu.memory_space<semaphore_mem>>) src(%arg2 : memref<16xi32, #tpu.memory_space<hbm>>) dst(%arg5 : memref<16xi32, #tpu.memory_space<vmem>>)
    %get3A = arith.constant 0 : index
    %get3A_5 = tpu.vector_load %arg5[%get3A] {strides = array<i32>} : memref<16xi32, #tpu.memory_space<vmem>>, vector<16xi32>,
    %get3A_6 = vector.shape_cast %get3A_5 : vector<16xi32> to vector<16xi32>
    %slice3A = vector.extract_strided_slice %get3A_6 {offsets = [0], sizes = [1], strides = [1]} : vector<16xi32> to vector<1xi32>
    %squeeze3A = vector.extract %slice3A[0] : i32 from vector<1xi32>
    %slice3A_7 = vector.extract_strided_slice %get3A_6 {offsets = [1], sizes = [1], strides = [1]} : vector<16xi32> to vector<1xi32>
    %squeeze3A_8 = vector.extract %slice3A_7[0] : i32 from vector<1xi32>
    %eq3A = arith.constant 0 : i32
    %eq3A_9 = arith.cmpi eq, %squeeze3A_8, %eq3A : i32
    %convert_element_type3A = arith.extui %eq3A_9 : i1 to i32
    %cond3A = arith.constant 0 : i32
    %cond3A_10 = arith.cmpi ne, %convert_element_type3A, %cond3A : i32
    scf.if %cond3A_10 {
      %add3A_15 = arith.addi %squeeze3A, %mul3A_4 : i32
      %add3A_16 = arith.constant 0 : i32
      %add3A_17 = arith.addi %add3A_15, %add3A_16 : i32
      %dma_start3A = arith.constant 0 : i32
      %dma_start3A_18 = arith.constant 0 : i32
      %dma_start3A_19 = arith.constant 0 : i32
      %dma_start3A_20 = tpu.memref_slice %arg7[%dma_start3A, %dma_start3A_18, %dma_start3A_19] : memref<4x8x1024xf32, #tpu.memory_space<vmem>> -> memref<2x8x1024xf32, #tpu.memory_space<vmem>>
      %dma_start3A_21 = tpu.memref_reshape %arg3 : memref<8192x1024xf32, #tpu.memory_space<hbm>> -> memref<1024x8x1024xf32, #tpu.memory_space<hbm>>
      %dma_start3A_22 = arith.constant 0 : i32
      %dma_start3A_23 = arith.constant 0 : i32
      %dma_start3A_24 = tpu.memref_slice %dma_start3A_21[%add3A_17, %dma_start3A_22, %dma_start3A_23] : memref<1024x8x1024xf32, #tpu.memory_space<hbm>> -> memref<2x8x1024xf32, #tpu.memory_space<hbm>>
      %dma_start3A_25 = arith.constant 0 : i32
      %dma_start3A_26 = arith.constant 0 : i32
      %dma_start3A_27 = arith.constant 0 : i32
      %dma_start3A_28 = tpu.memref_slice %arg7[%dma_start3A_25, %dma_start3A_26, %dma_start3A_27] : memref<4x8x1024xf32, #tpu.memory_space<vmem>> -> memref<2x8x1024xf32, #tpu.memory_space<vmem>>
      %dma_start3A_29 = tpu.memref_reshape %arg3 : memref<8192x1024xf32, #tpu.memory_space<hbm>> -> memref<1024x8x1024xf32, #tpu.memory_space<hbm>>
      %dma_start3A_30 = arith.constant 0 : i32
      %dma_start3A_31 = arith.constant 0 : i32
      %dma_start3A_32 = tpu.memref_slice %dma_start3A_29[%add3A_17, %dma_start3A_30, %dma_start3A_31] : memref<1024x8x1024xf32, #tpu.memory_space<hbm>> -> memref<2x8x1024xf32, #tpu.memory_space<hbm>>
      tpu.enqueue_dma source(%dma_start3A_32 : memref<2x8x1024xf32, #tpu.memory_space<hbm>>) target(%dma_start3A_28 : memref<2x8x1024xf32, #tpu.memory_space<vmem>>) target_semaphore(%arg11 : memref<!tpu.dma_semaphore, #tpu.memory_space<semaphore_mem>>)
      %add3A_33 = arith.addi %squeeze3A, %mul3A_4 : i32
      %add3A_34 = arith.constant 2 : i32
      %add3A_35 = arith.addi %add3A_33, %add3A_34 : i32
      %dma_start3A_36 = arith.constant 0 : i32
      %dma_start3A_37 = arith.constant 0 : i32
      %dma_start3A_38 = arith.constant 0 : i32
      %dma_start3A_39 = tpu.memref_slice %arg8[%dma_start3A_36, %dma_start3A_37, %dma_start3A_38] : memref<4x8x1024xf32, #tpu.memory_space<vmem>> -> memref<4x8x1024xf32, #tpu.memory_space<vmem>>
      %dma_start3A_40 = tpu.memref_reshape %arg3 : memref<8192x1024xf32, #tpu.memory_space<hbm>> -> memref<1024x8x1024xf32, #tpu.memory_space<hbm>>
      %dma_start3A_41 = arith.constant 0 : i32
      %dma_start3A_42 = arith.constant 0 : i32
      %dma_start3A_43 = tpu.memref_slice %dma_start3A_40[%add3A_35, %dma_start3A_41, %dma_start3A_42] : memref<1024x8x1024xf32, #tpu.memory_space<hbm>> -> memref<4x8x1024xf32, #tpu.memory_space<hbm>>
      %dma_start3A_44 = arith.constant 0 : i32
      %dma_start3A_45 = arith.constant 0 : i32
      %dma_start3A_46 = arith.constant 0 : i32
      %dma_start3A_47 = tpu.memref_slice %arg8[%dma_start3A_44, %dma_start3A_45, %dma_start3A_46] : memref<4x8x1024xf32, #tpu.memory_space<vmem>> -> memref<4x8x1024xf32, #tpu.memory_space<vmem>>
      %dma_start3A_48 = tpu.memref_reshape %arg3 : memref<8192x1024xf32, #tpu.memory_space<hbm>> -> memref<1024x8x1024xf32, #tpu.memory_space<hbm>>
      %dma_start3A_49 = arith.constant 0 : i32
      %dma_start3A_50 = arith.constant 0 : i32
      %dma_start3A_51 = tpu.memref_slice %dma_start3A_48[%add3A_35, %dma_start3A_49, %dma_start3A_50] : memref<1024x8x1024xf32, #tpu.memory_space<hbm>> -> memref<4x8x1024xf32, #tpu.memory_space<hbm>>
      tpu.enqueue_dma source(%dma_start3A_51 : memref<4x8x1024xf32, #tpu.memory_space<hbm>>) target(%dma_start3A_47 : memref<4x8x1024xf32, #tpu.memory_space<vmem>>) target_semaphore(%arg12 : memref<!tpu.dma_semaphore, #tpu.memory_space<semaphore_mem>>)
      %add3A_52 = arith.addi %squeeze3A, %mul3A_4 : i32
      %add3A_53 = arith.constant 6 : i32
      %add3A_54 = arith.addi %add3A_52, %add3A_53 : i32
      %dma_start3A_55 = arith.constant 0 : i32
      %dma_start3A_56 = arith.constant 0 : i32
      %dma_start3A_57 = arith.constant 0 : i32
      %dma_start3A_58 = tpu.memref_slice %arg9[%dma_start3A_55, %dma_start3A_56, %dma_start3A_57] : memref<4x8x1024xf32, #tpu.memory_space<vmem>> -> memref<4x8x1024xf32, #tpu.memory_space<vmem>>
      %dma_start3A_59 = tpu.memref_reshape %arg3 : memref<8192x1024xf32, #tpu.memory_space<hbm>> -> memref<1024x8x1024xf32, #tpu.memory_space<hbm>>
      %dma_start3A_60 = arith.constant 0 : i32
      %dma_start3A_61 = arith.constant 0 : i32
      %dma_start3A_62 = tpu.memref_slice %dma_start3A_59[%add3A_54, %dma_start3A_60, %dma_start3A_61] : memref<1024x8x1024xf32, #tpu.memory_space<hbm>> -> memref<4x8x1024xf32, #tpu.memory_space<hbm>>
      %dma_start3A_63 = arith.constant 0 : i32
      %dma_start3A_64 = arith.constant 0 : i32
      %dma_start3A_65 = arith.constant 0 : i32
      %dma_start3A_66 = tpu.memref_slice %arg9[%dma_start3A_63, %dma_start3A_64, %dma_start3A_65] : memref<4x8x1024xf32, #tpu.memory_space<vmem>> -> memref<4x8x1024xf32, #tpu.memory_space<vmem>>
      %dma_start3A_67 = tpu.memref_reshape %arg3 : memref<8192x1024xf32, #tpu.memory_space<hbm>> -> memref<1024x8x1024xf32, #tpu.memory_space<hbm>>
      %dma_start3A_68 = arith.constant 0 : i32
      %dma_start3A_69 = arith.constant 0 : i32
      %dma_start3A_70 = tpu.memref_slice %dma_start3A_67[%add3A_54, %dma_start3A_68, %dma_start3A_69] : memref<1024x8x1024xf32, #tpu.memory_space<hbm>> -> memref<4x8x1024xf32, #tpu.memory_space<hbm>>
      tpu.enqueue_dma source(%dma_start3A_70 : memref<4x8x1024xf32, #tpu.memory_space<hbm>>) target(%dma_start3A_66 : memref<4x8x1024xf32, #tpu.memory_space<vmem>>) target_semaphore(%arg13 : memref<!tpu.dma_semaphore, #tpu.memory_space<semaphore_mem>>)
      %dma_wait3A = arith.constant 0 : i32
      %dma_wait3A_71 = arith.constant 0 : i32
      %dma_wait3A_72 = arith.constant 0 : i32
      %dma_wait3A_73 = tpu.memref_slice %arg7[%dma_wait3A, %dma_wait3A_71, %dma_wait3A_72] : memref<4x8x1024xf32, #tpu.memory_space<vmem>> -> memref<2x8x1024xf32, #tpu.memory_space<vmem>>
      %dma_wait3A_74 = tpu.memref_reshape %arg3 : memref<8192x1024xf32, #tpu.memory_space<hbm>> -> memref<1024x8x1024xf32, #tpu.memory_space<hbm>>
      %dma_wait3A_75 = arith.constant 0 : i32
      %dma_wait3A_76 = arith.constant 0 : i32
      %dma_wait3A_77 = tpu.memref_slice %dma_wait3A_74[%add3A_17, %dma_wait3A_75, %dma_wait3A_76] : memref<1024x8x1024xf32, #tpu.memory_space<hbm>> -> memref<2x8x1024xf32, #tpu.memory_space<hbm>>
      %dma_wait3A_78 = arith.constant 0 : i32
      %dma_wait3A_79 = arith.constant 0 : i32
      %dma_wait3A_80 = arith.constant 0 : i32
      %dma_wait3A_81 = tpu.memref_slice %arg7[%dma_wait3A_78, %dma_wait3A_79, %dma_wait3A_80] : memref<4x8x1024xf32, #tpu.memory_space<vmem>> -> memref<2x8x1024xf32, #tpu.memory_space<vmem>>
      %dma_wait3A_82 = tpu.memref_reshape %arg3 : memref<8192x1024xf32, #tpu.memory_space<hbm>> -> memref<1024x8x1024xf32, #tpu.memory_space<hbm>>
      %dma_wait3A_83 = arith.constant 0 : i32
      %dma_wait3A_84 = arith.constant 0 : i32
      %dma_wait3A_85 = tpu.memref_slice %dma_wait3A_82[%add3A_17, %dma_wait3A_83, %dma_wait3A_84] : memref<1024x8x1024xf32, #tpu.memory_space<hbm>> -> memref<2x8x1024xf32, #tpu.memory_space<hbm>>
      tpu.wait_dma2 semaphore(%arg11 : memref<!tpu.dma_semaphore, #tpu.memory_space<semaphore_mem>>) src(%dma_wait3A_85 : memref<2x8x1024xf32, #tpu.memory_space<hbm>>) dst(%dma_wait3A_81 : memref<2x8x1024xf32, #tpu.memory_space<vmem>>)
      %add3A_86 = arith.constant 0 : i32
      %add3A_87 = arith.addi %mul3A_4, %add3A_86 : i32
      %dma_start3A_88 = arith.constant 0 : i32
      %dma_start3A_89 = arith.constant 0 : i32
      %dma_start3A_90 = arith.constant 0 : i32
      %dma_start3A_91 = tpu.memref_slice %arg7[%dma_start3A_88, %dma_start3A_89, %dma_start3A_90] : memref<4x8x1024xf32, #tpu.memory_space<vmem>> -> memref<2x8x1024xf32, #tpu.memory_space<vmem>>
      %dma_start3A_92 = arith.constant 0 : i32
      %dma_start3A_93 = arith.constant 0 : i32
      %dma_start3A_94 = tpu.memref_slice %arg4[%add3A_87, %dma_start3A_92, %dma_start3A_93] : memref<512x8x1024xf32, #tpu.memory_space<hbm>> -> memref<2x8x1024xf32, #tpu.memory_space<hbm>>
      %dma_start3A_95 = arith.constant 0 : i32
      %dma_start3A_96 = arith.constant 0 : i32
      %dma_start3A_97 = tpu.memref_slice %arg4[%add3A_87, %dma_start3A_95, %dma_start3A_96] : memref<512x8x1024xf32, #tpu.memory_space<hbm>> -> memref<2x8x1024xf32, #tpu.memory_space<hbm>>
      %dma_start3A_98 = arith.constant 0 : i32
      %dma_start3A_99 = arith.constant 0 : i32
      %dma_start3A_100 = arith.constant 0 : i32
      %dma_start3A_101 = tpu.memref_slice %arg7[%dma_start3A_98, %dma_start3A_99, %dma_start3A_100] : memref<4x8x1024xf32, #tpu.memory_space<vmem>> -> memref<2x8x1024xf32, #tpu.memory_space<vmem>>
      tpu.enqueue_dma source(%dma_start3A_101 : memref<2x8x1024xf32, #tpu.memory_space<vmem>>) target(%dma_start3A_97 : memref<2x8x1024xf32, #tpu.memory_space<hbm>>) target_semaphore(%arg14 : memref<!tpu.dma_semaphore, #tpu.memory_space<semaphore_mem>>)
      %dma_wait3A_102 = arith.constant 0 : i32
      %dma_wait3A_103 = arith.constant 0 : i32
      %dma_wait3A_104 = arith.constant 0 : i32
      %dma_wait3A_105 = tpu.memref_slice %arg8[%dma_wait3A_102, %dma_wait3A_103, %dma_wait3A_104] : memref<4x8x1024xf32, #tpu.memory_space<vmem>> -> memref<4x8x1024xf32, #tpu.memory_space<vmem>>
      %dma_wait3A_106 = tpu.memref_reshape %arg3 : memref<8192x1024xf32, #tpu.memory_space<hbm>> -> memref<1024x8x1024xf32, #tpu.memory_space<hbm>>
      %dma_wait3A_107 = arith.constant 0 : i32
      %dma_wait3A_108 = arith.constant 0 : i32
      %dma_wait3A_109 = tpu.memref_slice %dma_wait3A_106[%add3A_35, %dma_wait3A_107, %dma_wait3A_108] : memref<1024x8x1024xf32, #tpu.memory_space<hbm>> -> memref<4x8x1024xf32, #tpu.memory_space<hbm>>
      %dma_wait3A_110 = arith.constant 0 : i32
      %dma_wait3A_111 = arith.constant 0 : i32
      %dma_wait3A_112 = arith.constant 0 : i32
      %dma_wait3A_113 = tpu.memref_slice %arg8[%dma_wait3A_110, %dma_wait3A_111, %dma_wait3A_112] : memref<4x8x1024xf32, #tpu.memory_space<vmem>> -> memref<4x8x1024xf32, #tpu.memory_space<vmem>>
      %dma_wait3A_114 = tpu.memref_reshape %arg3 : memref<8192x1024xf32, #tpu.memory_space<hbm>> -> memref<1024x8x1024xf32, #tpu.memory_space<hbm>>
      %dma_wait3A_115 = arith.constant 0 : i32
      %dma_wait3A_116 = arith.constant 0 : i32
      %dma_wait3A_117 = tpu.memref_slice %dma_wait3A_114[%add3A_35, %dma_wait3A_115, %dma_wait3A_116] : memref<1024x8x1024xf32, #tpu.memory_space<hbm>> -> memref<4x8x1024xf32, #tpu.memory_space<hbm>>
      tpu.wait_dma2 semaphore(%arg12 : memref<!tpu.dma_semaphore, #tpu.memory_space<semaphore_mem>>) src(%dma_wait3A_117 : memref<4x8x1024xf32, #tpu.memory_space<hbm>>) dst(%dma_wait3A_113 : memref<4x8x1024xf32, #tpu.memory_space<vmem>>)
      %add3A_118 = arith.constant 2 : i32
      %add3A_119 = arith.addi %mul3A_4, %add3A_118 : i32
      %dma_start3A_120 = arith.constant 0 : i32
      %dma_start3A_121 = arith.constant 0 : i32
      %dma_start3A_122 = arith.constant 0 : i32
      %dma_start3A_123 = tpu.memref_slice %arg8[%dma_start3A_120, %dma_start3A_121, %dma_start3A_122] : memref<4x8x1024xf32, #tpu.memory_space<vmem>> -> memref<4x8x1024xf32, #tpu.memory_space<vmem>>
      %dma_start3A_124 = arith.constant 0 : i32
      %dma_start3A_125 = arith.constant 0 : i32
      %dma_start3A_126 = tpu.memref_slice %arg4[%add3A_119, %dma_start3A_124, %dma_start3A_125] : memref<512x8x1024xf32, #tpu.memory_space<hbm>> -> memref<4x8x1024xf32, #tpu.memory_space<hbm>>
      %dma_start3A_127 = arith.constant 0 : i32
      %dma_start3A_128 = arith.constant 0 : i32
      %dma_start3A_129 = tpu.memref_slice %arg4[%add3A_119, %dma_start3A_127, %dma_start3A_128] : memref<512x8x1024xf32, #tpu.memory_space<hbm>> -> memref<4x8x1024xf32, #tpu.memory_space<hbm>>
      %dma_start3A_130 = arith.constant 0 : i32
      %dma_start3A_131 = arith.constant 0 : i32
      %dma_start3A_132 = arith.constant 0 : i32
      %dma_start3A_133 = tpu.memref_slice %arg8[%dma_start3A_130, %dma_start3A_131, %dma_start3A_132] : memref<4x8x1024xf32, #tpu.memory_space<vmem>> -> memref<4x8x1024xf32, #tpu.memory_space<vmem>>
      tpu.enqueue_dma source(%dma_start3A_133 : memref<4x8x1024xf32, #tpu.memory_space<vmem>>) target(%dma_start3A_129 : memref<4x8x1024xf32, #tpu.memory_space<hbm>>) target_semaphore(%arg15 : memref<!tpu.dma_semaphore, #tpu.memory_space<semaphore_mem>>)
      %dma_wait3A_134 = arith.constant 0 : i32
      %dma_wait3A_135 = arith.constant 0 : i32
      %dma_wait3A_136 = arith.constant 0 : i32
      %dma_wait3A_137 = tpu.memref_slice %arg9[%dma_wait3A_134, %dma_wait3A_135, %dma_wait3A_136] : memref<4x8x1024xf32, #tpu.memory_space<vmem>> -> memref<4x8x1024xf32, #tpu.memory_space<vmem>>
      %dma_wait3A_138 = tpu.memref_reshape %arg3 : memref<8192x1024xf32, #tpu.memory_space<hbm>> -> memref<1024x8x1024xf32, #tpu.memory_space<hbm>>
      %dma_wait3A_139 = arith.constant 0 : i32
      %dma_wait3A_140 = arith.constant 0 : i32
      %dma_wait3A_141 = tpu.memref_slice %dma_wait3A_138[%add3A_54, %dma_wait3A_139, %dma_wait3A_140] : memref<1024x8x1024xf32, #tpu.memory_space<hbm>> -> memref<4x8x1024xf32, #tpu.memory_space<hbm>>
      %dma_wait3A_142 = arith.constant 0 : i32
      %dma_wait3A_143 = arith.constant 0 : i32
      %dma_wait3A_144 = arith.constant 0 : i32
      %dma_wait3A_145 = tpu.memref_slice %arg9[%dma_wait3A_142, %dma_wait3A_143, %dma_wait3A_144] : memref<4x8x1024xf32, #tpu.memory_space<vmem>> -> memref<4x8x1024xf32, #tpu.memory_space<vmem>>
      %dma_wait3A_146 = tpu.memref_reshape %arg3 : memref<8192x1024xf32, #tpu.memory_space<hbm>> -> memref<1024x8x1024xf32, #tpu.memory_space<hbm>>
      %dma_wait3A_147 = arith.constant 0 : i32
      %dma_wait3A_148 = arith.constant 0 : i32
      %dma_wait3A_149 = tpu.memref_slice %dma_wait3A_146[%add3A_54, %dma_wait3A_147, %dma_wait3A_148] : memref<1024x8x1024xf32, #tpu.memory_space<hbm>> -> memref<4x8x1024xf32, #tpu.memory_space<hbm>>
      tpu.wait_dma2 semaphore(%arg13 : memref<!tpu.dma_semaphore, #tpu.memory_space<semaphore_mem>>) src(%dma_wait3A_149 : memref<4x8x1024xf32, #tpu.memory_space<hbm>>) dst(%dma_wait3A_145 : memref<4x8x1024xf32, #tpu.memory_space<vmem>>)
      %add3A_150 = arith.constant 6 : i32
      %add3A_151 = arith.addi %mul3A_4, %add3A_150 : i32
      %dma_start3A_152 = arith.constant 0 : i32
      %dma_start3A_153 = arith.constant 0 : i32
      %dma_start3A_154 = arith.constant 0 : i32
      %dma_start3A_155 = tpu.memref_slice %arg9[%dma_start3A_152, %dma_start3A_153, %dma_start3A_154] : memref<4x8x1024xf32, #tpu.memory_space<vmem>> -> memref<4x8x1024xf32, #tpu.memory_space<vmem>>
      %dma_start3A_156 = arith.constant 0 : i32
      %dma_start3A_157 = arith.constant 0 : i32
      %dma_start3A_158 = tpu.memref_slice %arg4[%add3A_151, %dma_start3A_156, %dma_start3A_157] : memref<512x8x1024xf32, #tpu.memory_space<hbm>> -> memref<4x8x1024xf32, #tpu.memory_space<hbm>>
      %dma_start3A_159 = arith.constant 0 : i32
      %dma_start3A_160 = arith.constant 0 : i32
      %dma_start3A_161 = tpu.memref_slice %arg4[%add3A_151, %dma_start3A_159, %dma_start3A_160] : memref<512x8x1024xf32, #tpu.memory_space<hbm>> -> memref<4x8x1024xf32, #tpu.memory_space<hbm>>
      %dma_start3A_162 = arith.constant 0 : i32
      %dma_start3A_163 = arith.constant 0 : i32
      %dma_start3A_164 = arith.constant 0 : i32
      %dma_start3A_165 = tpu.memref_slice %arg9[%dma_start3A_162, %dma_start3A_163, %dma_start3A_164] : memref<4x8x1024xf32, #tpu.memory_space<vmem>> -> memref<4x8x1024xf32, #tpu.memory_space<vmem>>
      tpu.enqueue_dma source(%dma_start3A_165 : memref<4x8x1024xf32, #tpu.memory_space<vmem>>) target(%dma_start3A_161 : memref<4x8x1024xf32, #tpu.memory_space<hbm>>) target_semaphore(%arg16 : memref<!tpu.dma_semaphore, #tpu.memory_space<semaphore_mem>>)
      %dma_wait3A_166 = arith.constant 0 : i32
      %dma_wait3A_167 = arith.constant 0 : i32
      %dma_wait3A_168 = arith.constant 0 : i32
      %dma_wait3A_169 = tpu.memref_slice %arg7[%dma_wait3A_166, %dma_wait3A_167, %dma_wait3A_168] : memref<4x8x1024xf32, #tpu.memory_space<vmem>> -> memref<2x8x1024xf32, #tpu.memory_space<vmem>>
      %dma_wait3A_170 = arith.constant 0 : i32
      %dma_wait3A_171 = arith.constant 0 : i32
      %dma_wait3A_172 = tpu.memref_slice %arg4[%add3A_87, %dma_wait3A_170, %dma_wait3A_171] : memref<512x8x1024xf32, #tpu.memory_space<hbm>> -> memref<2x8x1024xf32, #tpu.memory_space<hbm>>
      %dma_wait3A_173 = arith.constant 0 : i32
      %dma_wait3A_174 = arith.constant 0 : i32
      %dma_wait3A_175 = tpu.memref_slice %arg4[%add3A_87, %dma_wait3A_173, %dma_wait3A_174] : memref<512x8x1024xf32, #tpu.memory_space<hbm>> -> memref<2x8x1024xf32, #tpu.memory_space<hbm>>
      %dma_wait3A_176 = arith.constant 0 : i32
      %dma_wait3A_177 = arith.constant 0 : i32
      %dma_wait3A_178 = arith.constant 0 : i32
      %dma_wait3A_179 = tpu.memref_slice %arg7[%dma_wait3A_176, %dma_wait3A_177, %dma_wait3A_178] : memref<4x8x1024xf32, #tpu.memory_space<vmem>> -> memref<2x8x1024xf32, #tpu.memory_space<vmem>>
      tpu.wait_dma2 semaphore(%arg14 : memref<!tpu.dma_semaphore, #tpu.memory_space<semaphore_mem>>) src(%dma_wait3A_179 : memref<2x8x1024xf32, #tpu.memory_space<vmem>>) dst(%dma_wait3A_175 : memref<2x8x1024xf32, #tpu.memory_space<hbm>>)
      %add3A_180 = arith.addi %squeeze3A, %mul3A_4 : i32
      %add3A_181 = arith.constant 10 : i32
      %add3A_182 = arith.addi %add3A_180, %add3A_181 : i32
      %dma_start3A_183 = arith.constant 0 : i32
      %dma_start3A_184 = arith.constant 0 : i32
      %dma_start3A_185 = arith.constant 0 : i32
      %dma_start3A_186 = tpu.memref_slice %arg7[%dma_start3A_183, %dma_start3A_184, %dma_start3A_185] : memref<4x8x1024xf32, #tpu.memory_space<vmem>> -> memref<4x8x1024xf32, #tpu.memory_space<vmem>>
      %dma_start3A_187 = tpu.memref_reshape %arg3 : memref<8192x1024xf32, #tpu.memory_space<hbm>> -> memref<1024x8x1024xf32, #tpu.memory_space<hbm>>
      %dma_start3A_188 = arith.constant 0 : i32
      %dma_start3A_189 = arith.constant 0 : i32
      %dma_start3A_190 = tpu.memref_slice %dma_start3A_187[%add3A_182, %dma_start3A_188, %dma_start3A_189] : memref<1024x8x1024xf32, #tpu.memory_space<hbm>> -> memref<4x8x1024xf32, #tpu.memory_space<hbm>>
      %dma_start3A_191 = arith.constant 0 : i32
      %dma_start3A_192 = arith.constant 0 : i32
      %dma_start3A_193 = arith.constant 0 : i32
      %dma_start3A_194 = tpu.memref_slice %arg7[%dma_start3A_191, %dma_start3A_192, %dma_start3A_193] : memref<4x8x1024xf32, #tpu.memory_space<vmem>> -> memref<4x8x1024xf32, #tpu.memory_space<vmem>>
      %dma_start3A_195 = tpu.memref_reshape %arg3 : memref<8192x1024xf32, #tpu.memory_space<hbm>> -> memref<1024x8x1024xf32, #tpu.memory_space<hbm>>
      %dma_start3A_196 = arith.constant 0 : i32
      %dma_start3A_197 = arith.constant 0 : i32
      %dma_start3A_198 = tpu.memref_slice %dma_start3A_195[%add3A_182, %dma_start3A_196, %dma_start3A_197] : memref<1024x8x1024xf32, #tpu.memory_space<hbm>> -> memref<4x8x1024xf32, #tpu.memory_space<hbm>>
      tpu.enqueue_dma source(%dma_start3A_198 : memref<4x8x1024xf32, #tpu.memory_space<hbm>>) target(%dma_start3A_194 : memref<4x8x1024xf32, #tpu.memory_space<vmem>>) target_semaphore(%arg11 : memref<!tpu.dma_semaphore, #tpu.memory_space<semaphore_mem>>)
      %dma_wait3A_199 = arith.constant 0 : i32
      %dma_wait3A_200 = arith.constant 0 : i32
      %dma_wait3A_201 = arith.constant 0 : i32
      %dma_wait3A_202 = tpu.memref_slice %arg7[%dma_wait3A_199, %dma_wait3A_200, %dma_wait3A_201] : memref<4x8x1024xf32, #tpu.memory_space<vmem>> -> memref<4x8x1024xf32, #tpu.memory_space<vmem>>
      %dma_wait3A_203 = tpu.memref_reshape %arg3 : memref<8192x1024xf32, #tpu.memory_space<hbm>> -> memref<1024x8x1024xf32, #tpu.memory_space<hbm>>
      %dma_wait3A_204 = arith.constant 0 : i32
      %dma_wait3A_205 = arith.constant 0 : i32
      %dma_wait3A_206 = tpu.memref_slice %dma_wait3A_203[%add3A_182, %dma_wait3A_204, %dma_wait3A_205] : memref<1024x8x1024xf32, #tpu.memory_space<hbm>> -> memref<4x8x1024xf32, #tpu.memory_space<hbm>>
      %dma_wait3A_207 = arith.constant 0 : i32
      %dma_wait3A_208 = arith.constant 0 : i32
      %dma_wait3A_209 = arith.constant 0 : i32
      %dma_wait3A_210 = tpu.memref_slice %arg7[%dma_wait3A_207, %dma_wait3A_208, %dma_wait3A_209] : memref<4x8x1024xf32, #tpu.memory_space<vmem>> -> memref<4x8x1024xf32, #tpu.memory_space<vmem>>
      %dma_wait3A_211 = tpu.memref_reshape %arg3 : memref<8192x1024xf32, #tpu.memory_space<hbm>> -> memref<1024x8x1024xf32, #tpu.memory_space<hbm>>
      %dma_wait3A_212 = arith.constant 0 : i32
      %dma_wait3A_213 = arith.constant 0 : i32
      %dma_wait3A_214 = tpu.memref_slice %dma_wait3A_211[%add3A_182, %dma_wait3A_212, %dma_wait3A_213] : memref<1024x8x1024xf32, #tpu.memory_space<hbm>> -> memref<4x8x1024xf32, #tpu.memory_space<hbm>>
      tpu.wait_dma2 semaphore(%arg11 : memref<!tpu.dma_semaphore, #tpu.memory_space<semaphore_mem>>) src(%dma_wait3A_214 : memref<4x8x1024xf32, #tpu.memory_space<hbm>>) dst(%dma_wait3A_210 : memref<4x8x1024xf32, #tpu.memory_space<vmem>>)
      %add3A_215 = arith.constant 10 : i32
      %add3A_216 = arith.addi %mul3A_4, %add3A_215 : i32
      %dma_start3A_217 = arith.constant 0 : i32
      %dma_start3A_218 = arith.constant 0 : i32
      %dma_start3A_219 = arith.constant 0 : i32
      %dma_start3A_220 = tpu.memref_slice %arg7[%dma_start3A_217, %dma_start3A_218, %dma_start3A_219] : memref<4x8x1024xf32, #tpu.memory_space<vmem>> -> memref<4x8x1024xf32, #tpu.memory_space<vmem>>
      %dma_start3A_221 = arith.constant 0 : i32
      %dma_start3A_222 = arith.constant 0 : i32
      %dma_start3A_223 = tpu.memref_slice %arg4[%add3A_216, %dma_start3A_221, %dma_start3A_222] : memref<512x8x1024xf32, #tpu.memory_space<hbm>> -> memref<4x8x1024xf32, #tpu.memory_space<hbm>>
      %dma_start3A_224 = arith.constant 0 : i32
      %dma_start3A_225 = arith.constant 0 : i32
      %dma_start3A_226 = tpu.memref_slice %arg4[%add3A_216, %dma_start3A_224, %dma_start3A_225] : memref<512x8x1024xf32, #tpu.memory_space<hbm>> -> memref<4x8x1024xf32, #tpu.memory_space<hbm>>
      %dma_start3A_227 = arith.constant 0 : i32
      %dma_start3A_228 = arith.constant 0 : i32
      %dma_start3A_229 = arith.constant 0 : i32
      %dma_start3A_230 = tpu.memref_slice %arg7[%dma_start3A_227, %dma_start3A_228, %dma_start3A_229] : memref<4x8x1024xf32, #tpu.memory_space<vmem>> -> memref<4x8x1024xf32, #tpu.memory_space<vmem>>
      tpu.enqueue_dma source(%dma_start3A_230 : memref<4x8x1024xf32, #tpu.memory_space<vmem>>) target(%dma_start3A_226 : memref<4x8x1024xf32, #tpu.memory_space<hbm>>) target_semaphore(%arg14 : memref<!tpu.dma_semaphore, #tpu.memory_space<semaphore_mem>>)
      %dma_wait3A_231 = arith.constant 0 : i32
      %dma_wait3A_232 = arith.constant 0 : i32
      %dma_wait3A_233 = arith.constant 0 : i32
      %dma_wait3A_234 = tpu.memref_slice %arg8[%dma_wait3A_231, %dma_wait3A_232, %dma_wait3A_233] : memref<4x8x1024xf32, #tpu.memory_space<vmem>> -> memref<4x8x1024xf32, #tpu.memory_space<vmem>>
      %dma_wait3A_235 = arith.constant 0 : i32
      %dma_wait3A_236 = arith.constant 0 : i32
      %dma_wait3A_237 = tpu.memref_slice %arg4[%add3A_119, %dma_wait3A_235, %dma_wait3A_236] : memref<512x8x1024xf32, #tpu.memory_space<hbm>> -> memref<4x8x1024xf32, #tpu.memory_space<hbm>>
      %dma_wait3A_238 = arith.constant 0 : i32
      %dma_wait3A_239 = arith.constant 0 : i32
      %dma_wait3A_240 = tpu.memref_slice %arg4[%add3A_119, %dma_wait3A_238, %dma_wait3A_239] : memref<512x8x1024xf32, #tpu.memory_space<hbm>> -> memref<4x8x1024xf32, #tpu.memory_space<hbm>>
      %dma_wait3A_241 = arith.constant 0 : i32
      %dma_wait3A_242 = arith.constant 0 : i32
      %dma_wait3A_243 = arith.constant 0 : i32
      %dma_wait3A_244 = tpu.memref_slice %arg8[%dma_wait3A_241, %dma_wait3A_242, %dma_wait3A_243] : memref<4x8x1024xf32, #tpu.memory_space<vmem>> -> memref<4x8x1024xf32, #tpu.memory_space<vmem>>
      tpu.wait_dma2 semaphore(%arg15 : memref<!tpu.dma_semaphore, #tpu.memory_space<semaphore_mem>>) src(%dma_wait3A_244 : memref<4x8x1024xf32, #tpu.memory_space<vmem>>) dst(%dma_wait3A_240 : memref<4x8x1024xf32, #tpu.memory_space<hbm>>)
      %add3A_245 = arith.addi %squeeze3A, %mul3A_4 : i32
      %add3A_246 = arith.constant 14 : i32
      %add3A_247 = arith.addi %add3A_245, %add3A_246 : i32
      %dma_start3A_248 = arith.constant 0 : i32
      %dma_start3A_249 = arith.constant 0 : i32
      %dma_start3A_250 = arith.constant 0 : i32
      %dma_start3A_251 = tpu.memref_slice %arg8[%dma_start3A_248, %dma_start3A_249, %dma_start3A_250] : memref<4x8x1024xf32, #tpu.memory_space<vmem>> -> memref<2x8x1024xf32, #tpu.memory_space<vmem>>
      %dma_start3A_252 = tpu.memref_reshape %arg3 : memref<8192x1024xf32, #tpu.memory_space<hbm>> -> memref<1024x8x1024xf32, #tpu.memory_space<hbm>>
      %dma_start3A_253 = arith.constant 0 : i32
      %dma_start3A_254 = arith.constant 0 : i32
      %dma_start3A_255 = tpu.memref_slice %dma_start3A_252[%add3A_247, %dma_start3A_253, %dma_start3A_254] : memref<1024x8x1024xf32, #tpu.memory_space<hbm>> -> memref<2x8x1024xf32, #tpu.memory_space<hbm>>
      %dma_start3A_256 = arith.constant 0 : i32
      %dma_start3A_257 = arith.constant 0 : i32
      %dma_start3A_258 = arith.constant 0 : i32
      %dma_start3A_259 = tpu.memref_slice %arg8[%dma_start3A_256, %dma_start3A_257, %dma_start3A_258] : memref<4x8x1024xf32, #tpu.memory_space<vmem>> -> memref<2x8x1024xf32, #tpu.memory_space<vmem>>
      %dma_start3A_260 = tpu.memref_reshape %arg3 : memref<8192x1024xf32, #tpu.memory_space<hbm>> -> memref<1024x8x1024xf32, #tpu.memory_space<hbm>>
      %dma_start3A_261 = arith.constant 0 : i32
      %dma_start3A_262 = arith.constant 0 : i32
      %dma_start3A_263 = tpu.memref_slice %dma_start3A_260[%add3A_247, %dma_start3A_261, %dma_start3A_262] : memref<1024x8x1024xf32, #tpu.memory_space<hbm>> -> memref<2x8x1024xf32, #tpu.memory_space<hbm>>
      tpu.enqueue_dma source(%dma_start3A_263 : memref<2x8x1024xf32, #tpu.memory_space<hbm>>) target(%dma_start3A_259 : memref<2x8x1024xf32, #tpu.memory_space<vmem>>) target_semaphore(%arg12 : memref<!tpu.dma_semaphore, #tpu.memory_space<semaphore_mem>>)
      %dma_wait3A_264 = arith.constant 0 : i32
      %dma_wait3A_265 = arith.constant 0 : i32
      %dma_wait3A_266 = arith.constant 0 : i32
      %dma_wait3A_267 = tpu.memref_slice %arg8[%dma_wait3A_264, %dma_wait3A_265, %dma_wait3A_266] : memref<4x8x1024xf32, #tpu.memory_space<vmem>> -> memref<2x8x1024xf32, #tpu.memory_space<vmem>>
      %dma_wait3A_268 = tpu.memref_reshape %arg3 : memref<8192x1024xf32, #tpu.memory_space<hbm>> -> memref<1024x8x1024xf32, #tpu.memory_space<hbm>>
      %dma_wait3A_269 = arith.constant 0 : i32
      %dma_wait3A_270 = arith.constant 0 : i32
      %dma_wait3A_271 = tpu.memref_slice %dma_wait3A_268[%add3A_247, %dma_wait3A_269, %dma_wait3A_270] : memref<1024x8x1024xf32, #tpu.memory_space<hbm>> -> memref<2x8x1024xf32, #tpu.memory_space<hbm>>
      %dma_wait3A_272 = arith.constant 0 : i32
      %dma_wait3A_273 = arith.constant 0 : i32
      %dma_wait3A_274 = arith.constant 0 : i32
      %dma_wait3A_275 = tpu.memref_slice %arg8[%dma_wait3A_272, %dma_wait3A_273, %dma_wait3A_274] : memref<4x8x1024xf32, #tpu.memory_space<vmem>> -> memref<2x8x1024xf32, #tpu.memory_space<vmem>>
      %dma_wait3A_276 = tpu.memref_reshape %arg3 : memref<8192x1024xf32, #tpu.memory_space<hbm>> -> memref<1024x8x1024xf32, #tpu.memory_space<hbm>>
      %dma_wait3A_277 = arith.constant 0 : i32
      %dma_wait3A_278 = arith.constant 0 : i32
      %dma_wait3A_279 = tpu.memref_slice %dma_wait3A_276[%add3A_247, %dma_wait3A_277, %dma_wait3A_278] : memref<1024x8x1024xf32, #tpu.memory_space<hbm>> -> memref<2x8x1024xf32, #tpu.memory_space<hbm>>
      tpu.wait_dma2 semaphore(%arg12 : memref<!tpu.dma_semaphore, #tpu.memory_space<semaphore_mem>>) src(%dma_wait3A_279 : memref<2x8x1024xf32, #tpu.memory_space<hbm>>) dst(%dma_wait3A_275 : memref<2x8x1024xf32, #tpu.memory_space<vmem>>)
      %add3A_280 = arith.constant 14 : i32
      %add3A_281 = arith.addi %mul3A_4, %add3A_280 : i32
      %dma_start3A_282 = arith.constant 0 : i32
      %dma_start3A_283 = arith.constant 0 : i32
      %dma_start3A_284 = arith.constant 0 : i32
      %dma_start3A_285 = tpu.memref_slice %arg8[%dma_start3A_282, %dma_start3A_283, %dma_start3A_284] : memref<4x8x1024xf32, #tpu.memory_space<vmem>> -> memref<2x8x1024xf32, #tpu.memory_space<vmem>>
      %dma_start3A_286 = arith.constant 0 : i32
      %dma_start3A_287 = arith.constant 0 : i32
      %dma_start3A_288 = tpu.memref_slice %arg4[%add3A_281, %dma_start3A_286, %dma_start3A_287] : memref<512x8x1024xf32, #tpu.memory_space<hbm>> -> memref<2x8x1024xf32, #tpu.memory_space<hbm>>
      %dma_start3A_289 = arith.constant 0 : i32
      %dma_start3A_290 = arith.constant 0 : i32
      %dma_start3A_291 = tpu.memref_slice %arg4[%add3A_281, %dma_start3A_289, %dma_start3A_290] : memref<512x8x1024xf32, #tpu.memory_space<hbm>> -> memref<2x8x1024xf32, #tpu.memory_space<hbm>>
      %dma_start3A_292 = arith.constant 0 : i32
      %dma_start3A_293 = arith.constant 0 : i32
      %dma_start3A_294 = arith.constant 0 : i32
      %dma_start3A_295 = tpu.memref_slice %arg8[%dma_start3A_292, %dma_start3A_293, %dma_start3A_294] : memref<4x8x1024xf32, #tpu.memory_space<vmem>> -> memref<2x8x1024xf32, #tpu.memory_space<vmem>>
      tpu.enqueue_dma source(%dma_start3A_295 : memref<2x8x1024xf32, #tpu.memory_space<vmem>>) target(%dma_start3A_291 : memref<2x8x1024xf32, #tpu.memory_space<hbm>>) target_semaphore(%arg15 : memref<!tpu.dma_semaphore, #tpu.memory_space<semaphore_mem>>)
      %dma_wait3A_296 = arith.constant 0 : i32
      %dma_wait3A_297 = arith.constant 0 : i32
      %dma_wait3A_298 = arith.constant 0 : i32
      %dma_wait3A_299 = tpu.memref_slice %arg9[%dma_wait3A_296, %dma_wait3A_297, %dma_wait3A_298] : memref<4x8x1024xf32, #tpu.memory_space<vmem>> -> memref<4x8x1024xf32, #tpu.memory_space<vmem>>
      %dma_wait3A_300 = arith.constant 0 : i32
      %dma_wait3A_301 = arith.constant 0 : i32
      %dma_wait3A_302 = tpu.memref_slice %arg4[%add3A_151, %dma_wait3A_300, %dma_wait3A_301] : memref<512x8x1024xf32, #tpu.memory_space<hbm>> -> memref<4x8x1024xf32, #tpu.memory_space<hbm>>
      %dma_wait3A_303 = arith.constant 0 : i32
      %dma_wait3A_304 = arith.constant 0 : i32
      %dma_wait3A_305 = tpu.memref_slice %arg4[%add3A_151, %dma_wait3A_303, %dma_wait3A_304] : memref<512x8x1024xf32, #tpu.memory_space<hbm>> -> memref<4x8x1024xf32, #tpu.memory_space<hbm>>
      %dma_wait3A_306 = arith.constant 0 : i32
      %dma_wait3A_307 = arith.constant 0 : i32
      %dma_wait3A_308 = arith.constant 0 : i32
      %dma_wait3A_309 = tpu.memref_slice %arg9[%dma_wait3A_306, %dma_wait3A_307, %dma_wait3A_308] : memref<4x8x1024xf32, #tpu.memory_space<vmem>> -> memref<4x8x1024xf32, #tpu.memory_space<vmem>>
      tpu.wait_dma2 semaphore(%arg16 : memref<!tpu.dma_semaphore, #tpu.memory_space<semaphore_mem>>) src(%dma_wait3A_309 : memref<4x8x1024xf32, #tpu.memory_space<vmem>>) dst(%dma_wait3A_305 : memref<4x8x1024xf32, #tpu.memory_space<hbm>>)
      %dma_wait3A_310 = arith.constant 0 : i32
      %dma_wait3A_311 = arith.constant 0 : i32
      %dma_wait3A_312 = arith.constant 0 : i32
      %dma_wait3A_313 = tpu.memref_slice %arg7[%dma_wait3A_310, %dma_wait3A_311, %dma_wait3A_312] : memref<4x8x1024xf32, #tpu.memory_space<vmem>> -> memref<4x8x1024xf32, #tpu.memory_space<vmem>>
      %dma_wait3A_314 = arith.constant 0 : i32
      %dma_wait3A_315 = arith.constant 0 : i32
      %dma_wait3A_316 = tpu.memref_slice %arg4[%add3A_216, %dma_wait3A_314, %dma_wait3A_315] : memref<512x8x1024xf32, #tpu.memory_space<hbm>> -> memref<4x8x1024xf32, #tpu.memory_space<hbm>>
      %dma_wait3A_317 = arith.constant 0 : i32
      %dma_wait3A_318 = arith.constant 0 : i32
      %dma_wait3A_319 = tpu.memref_slice %arg4[%add3A_216, %dma_wait3A_317, %dma_wait3A_318] : memref<512x8x1024xf32, #tpu.memory_space<hbm>> -> memref<4x8x1024xf32, #tpu.memory_space<hbm>>
      %dma_wait3A_320 = arith.constant 0 : i32
      %dma_wait3A_321 = arith.constant 0 : i32
      %dma_wait3A_322 = arith.constant 0 : i32
      %dma_wait3A_323 = tpu.memref_slice %arg7[%dma_wait3A_320, %dma_wait3A_321, %dma_wait3A_322] : memref<4x8x1024xf32, #tpu.memory_space<vmem>> -> memref<4x8x1024xf32, #tpu.memory_space<vmem>>
      tpu.wait_dma2 semaphore(%arg14 : memref<!tpu.dma_semaphore, #tpu.memory_space<semaphore_mem>>) src(%dma_wait3A_323 : memref<4x8x1024xf32, #tpu.memory_space<vmem>>) dst(%dma_wait3A_319 : memref<4x8x1024xf32, #tpu.memory_space<hbm>>)
      %dma_wait3A_324 = arith.constant 0 : i32
      %dma_wait3A_325 = arith.constant 0 : i32
      %dma_wait3A_326 = arith.constant 0 : i32
      %dma_wait3A_327 = tpu.memref_slice %arg8[%dma_wait3A_324, %dma_wait3A_325, %dma_wait3A_326] : memref<4x8x1024xf32, #tpu.memory_space<vmem>> -> memref<2x8x1024xf32, #tpu.memory_space<vmem>>
      %dma_wait3A_328 = arith.constant 0 : i32
      %dma_wait3A_329 = arith.constant 0 : i32
      %dma_wait3A_330 = tpu.memref_slice %arg4[%add3A_281, %dma_wait3A_328, %dma_wait3A_329] : memref<512x8x1024xf32, #tpu.memory_space<hbm>> -> memref<2x8x1024xf32, #tpu.memory_space<hbm>>
      %dma_wait3A_331 = arith.constant 0 : i32
      %dma_wait3A_332 = arith.constant 0 : i32
      %dma_wait3A_333 = tpu.memref_slice %arg4[%add3A_281, %dma_wait3A_331, %dma_wait3A_332] : memref<512x8x1024xf32, #tpu.memory_space<hbm>> -> memref<2x8x1024xf32, #tpu.memory_space<hbm>>
      %dma_wait3A_334 = arith.constant 0 : i32
      %dma_wait3A_335 = arith.constant 0 : i32
      %dma_wait3A_336 = arith.constant 0 : i32
      %dma_wait3A_337 = tpu.memref_slice %arg8[%dma_wait3A_334, %dma_wait3A_335, %dma_wait3A_336] : memref<4x8x1024xf32, #tpu.memory_space<vmem>> -> memref<2x8x1024xf32, #tpu.memory_space<vmem>>
      tpu.wait_dma2 semaphore(%arg15 : memref<!tpu.dma_semaphore, #tpu.memory_space<semaphore_mem>>) src(%dma_wait3A_337 : memref<2x8x1024xf32, #tpu.memory_space<vmem>>) dst(%dma_wait3A_333 : memref<2x8x1024xf32, #tpu.memory_space<hbm>>)
    } else {
    }
    %ne3A = arith.constant 0 : i32
    %ne3A_11 = arith.cmpi ne, %squeeze3A_8, %ne3A : i32
    %convert_element_type3A_12 = arith.extui %ne3A_11 : i1 to i32
    %cond3A_13 = arith.constant 0 : i32
    %cond3A_14 = arith.cmpi ne, %convert_element_type3A_12, %cond3A_13 : i32
    scf.if %cond3A_14 {
      %mul3A_15 = arith.constant 8 : i32
      %mul3A_16 = arith.muli %squeeze3A, %mul3A_15 : i32
      %add3A_17 = arith.addi %mul3A_16, %squeeze3A_8 : i32
      %add3A_18 = arith.addi %add3A_17, %mul3A_2 : i32
      %add3A_19 = arith.constant 0 : i32
      %add3A_20 = arith.addi %add3A_18, %add3A_19 : i32
      %iota3A = tpu.iota {dimensions = array<i32: 0>} : vector<16xi32>
      %add3A_21 = vector.broadcast %add3A_20 : i32 to vector<16xi32>
      %add3A_22 = arith.addi %add3A_21, %iota3A : vector<16xi32>
      %swap3A = arith.constant 0 : index
      %swap3A_23 = tpu.vector_load %arg6[%swap3A] {strides = array<i32>} : memref<128xi32, #tpu.memory_space<vmem>>, vector<16xi32>,
      %swap3A_24 = vector.shape_cast %swap3A_23 : vector<16xi32> to vector<16xi32>
      %swap3A_25 = vector.shape_cast %add3A_22 : vector<16xi32> to vector<16xi32>
      tpu.vector_store %arg6[%swap3A], %swap3A_25 {strides = array<i32>} : memref<128xi32, #tpu.memory_space<vmem>>, vector<16xi32>,
      %add3A_26 = arith.constant 16 : i32
      %add3A_27 = arith.addi %add3A_18, %add3A_26 : i32
      %iota3A_28 = tpu.iota {dimensions = array<i32: 0>} : vector<16xi32>
      %add3A_29 = vector.broadcast %add3A_27 : i32 to vector<16xi32>
      %add3A_30 = arith.addi %add3A_29, %iota3A_28 : vector<16xi32>
      %swap3A_31 = arith.constant 16 : index
      %swap3A_32 = tpu.vector_load %arg6[%swap3A_31] {strides = array<i32>} : memref<128xi32, #tpu.memory_space<vmem>>, vector<16xi32>,
      %swap3A_33 = vector.shape_cast %swap3A_32 : vector<16xi32> to vector<16xi32>
      %swap3A_34 = vector.shape_cast %add3A_30 : vector<16xi32> to vector<16xi32>
      tpu.vector_store %arg6[%swap3A_31], %swap3A_34 {strides = array<i32>} : memref<128xi32, #tpu.memory_space<vmem>>, vector<16xi32>,
      %add3A_35 = arith.constant 32 : i32
      %add3A_36 = arith.addi %add3A_18, %add3A_35 : i32
      %iota3A_37 = tpu.iota {dimensions = array<i32: 0>} : vector<16xi32>
      %add3A_38 = vector.broadcast %add3A_36 : i32 to vector<16xi32>
      %add3A_39 = arith.addi %add3A_38, %iota3A_37 : vector<16xi32>
      %swap3A_40 = arith.constant 32 : index
      %swap3A_41 = tpu.vector_load %arg6[%swap3A_40] {strides = array<i32>} : memref<128xi32, #tpu.memory_space<vmem>>, vector<16xi32>,
      %swap3A_42 = vector.shape_cast %swap3A_41 : vector<16xi32> to vector<16xi32>
      %swap3A_43 = vector.shape_cast %add3A_39 : vector<16xi32> to vector<16xi32>
      tpu.vector_store %arg6[%swap3A_40], %swap3A_43 {strides = array<i32>} : memref<128xi32, #tpu.memory_space<vmem>>, vector<16xi32>,
      %add3A_44 = arith.constant 48 : i32
      %add3A_45 = arith.addi %add3A_18, %add3A_44 : i32
      %iota3A_46 = tpu.iota {dimensions = array<i32: 0>} : vector<16xi32>
      %add3A_47 = vector.broadcast %add3A_45 : i32 to vector<16xi32>
      %add3A_48 = arith.addi %add3A_47, %iota3A_46 : vector<16xi32>
      %swap3A_49 = arith.constant 48 : index
      %swap3A_50 = tpu.vector_load %arg6[%swap3A_49] {strides = array<i32>} : memref<128xi32, #tpu.memory_space<vmem>>, vector<16xi32>,
      %swap3A_51 = vector.shape_cast %swap3A_50 : vector<16xi32> to vector<16xi32>
      %swap3A_52 = vector.shape_cast %add3A_48 : vector<16xi32> to vector<16xi32>
      tpu.vector_store %arg6[%swap3A_49], %swap3A_52 {strides = array<i32>} : memref<128xi32, #tpu.memory_space<vmem>>, vector<16xi32>,
      %add3A_53 = arith.constant 64 : i32
      %add3A_54 = arith.addi %add3A_18, %add3A_53 : i32
      %iota3A_55 = tpu.iota {dimensions = array<i32: 0>} : vector<16xi32>
      %add3A_56 = vector.broadcast %add3A_54 : i32 to vector<16xi32>
      %add3A_57 = arith.addi %add3A_56, %iota3A_55 : vector<16xi32>
      %swap3A_58 = arith.constant 64 : index
      %swap3A_59 = tpu.vector_load %arg6[%swap3A_58] {strides = array<i32>} : memref<128xi32, #tpu.memory_space<vmem>>, vector<16xi32>,
      %swap3A_60 = vector.shape_cast %swap3A_59 : vector<16xi32> to vector<16xi32>
      %swap3A_61 = vector.shape_cast %add3A_57 : vector<16xi32> to vector<16xi32>
      tpu.vector_store %arg6[%swap3A_58], %swap3A_61 {strides = array<i32>} : memref<128xi32, #tpu.memory_space<vmem>>, vector<16xi32>,
      %add3A_62 = arith.constant 80 : i32
      %add3A_63 = arith.addi %add3A_18, %add3A_62 : i32
      %iota3A_64 = tpu.iota {dimensions = array<i32: 0>} : vector<16xi32>
      %add3A_65 = vector.broadcast %add3A_63 : i32 to vector<16xi32>
      %add3A_66 = arith.addi %add3A_65, %iota3A_64 : vector<16xi32>
      %swap3A_67 = arith.constant 80 : index
      %swap3A_68 = tpu.vector_load %arg6[%swap3A_67] {strides = array<i32>} : memref<128xi32, #tpu.memory_space<vmem>>, vector<16xi32>,
      %swap3A_69 = vector.shape_cast %swap3A_68 : vector<16xi32> to vector<16xi32>
      %swap3A_70 = vector.shape_cast %add3A_66 : vector<16xi32> to vector<16xi32>
      tpu.vector_store %arg6[%swap3A_67], %swap3A_70 {strides = array<i32>} : memref<128xi32, #tpu.memory_space<vmem>>, vector<16xi32>,
      %add3A_71 = arith.constant 96 : i32
      %add3A_72 = arith.addi %add3A_18, %add3A_71 : i32
      %iota3A_73 = tpu.iota {dimensions = array<i32: 0>} : vector<16xi32>
      %add3A_74 = vector.broadcast %add3A_72 : i32 to vector<16xi32>
      %add3A_75 = arith.addi %add3A_74, %iota3A_73 : vector<16xi32>
      %swap3A_76 = arith.constant 96 : index
      %swap3A_77 = tpu.vector_load %arg6[%swap3A_76] {strides = array<i32>} : memref<128xi32, #tpu.memory_space<vmem>>, vector<16xi32>,
      %swap3A_78 = vector.shape_cast %swap3A_77 : vector<16xi32> to vector<16xi32>
      %swap3A_79 = vector.shape_cast %add3A_75 : vector<16xi32> to vector<16xi32>
      tpu.vector_store %arg6[%swap3A_76], %swap3A_79 {strides = array<i32>} : memref<128xi32, #tpu.memory_space<vmem>>, vector<16xi32>,
      %add3A_80 = arith.constant 112 : i32
      %add3A_81 = arith.addi %add3A_18, %add3A_80 : i32
      %iota3A_82 = tpu.iota {dimensions = array<i32: 0>} : vector<16xi32>
      %add3A_83 = vector.broadcast %add3A_81 : i32 to vector<16xi32>
      %add3A_84 = arith.addi %add3A_83, %iota3A_82 : vector<16xi32>
      %swap3A_85 = arith.constant 112 : index
      %swap3A_86 = tpu.vector_load %arg6[%swap3A_85] {strides = array<i32>} : memref<128xi32, #tpu.memory_space<vmem>>, vector<16xi32>,
      %swap3A_87 = vector.shape_cast %swap3A_86 : vector<16xi32> to vector<16xi32>
      %swap3A_88 = vector.shape_cast %add3A_84 : vector<16xi32> to vector<16xi32>
      tpu.vector_store %arg6[%swap3A_85], %swap3A_88 {strides = array<i32>} : memref<128xi32, #tpu.memory_space<vmem>>, vector<16xi32>,
      %dma_start3A = tpu.memref_reshape %arg7 : memref<4x8x1024xf32, #tpu.memory_space<vmem>> -> memref<32x1024xf32, #tpu.memory_space<vmem>>
      %dma_start3A_89 = arith.constant 0 : i32
      %dma_start3A_90 = tpu.memref_slice %arg6[%dma_start3A_89] : memref<128xi32, #tpu.memory_space<vmem>> -> memref<32xi32, #tpu.memory_space<vmem>>
      %dma_start3A_91 = arith.constant 0 : i32
      %dma_start3A_92 = arith.constant 0 : i32
      %dma_start3A_93 = tpu.memref_slice %arg3[%dma_start3A_91, %dma_start3A_92] : memref<8192x1024xf32, #tpu.memory_space<hbm>> -> memref<8192x1024xf32, #tpu.memory_space<hbm>>
      tpu.enqueue_indirect_dma source(%dma_start3A_93 : memref<8192x1024xf32, #tpu.memory_space<hbm>>) target(%dma_start3A : memref<32x1024xf32, #tpu.memory_space<vmem>>) offsets(%dma_start3A_90 : memref<32xi32, #tpu.memory_space<vmem>>) semaphore(%arg11 : memref<!tpu.dma_semaphore, #tpu.memory_space<semaphore_mem>>)
      %dma_start3A_94 = tpu.memref_reshape %arg8 : memref<4x8x1024xf32, #tpu.memory_space<vmem>> -> memref<32x1024xf32, #tpu.memory_space<vmem>>
      %dma_start3A_95 = arith.constant 32 : i32
      %dma_start3A_96 = tpu.memref_slice %arg6[%dma_start3A_95] : memref<128xi32, #tpu.memory_space<vmem>> -> memref<32xi32, #tpu.memory_space<vmem>>
      %dma_start3A_97 = arith.constant 0 : i32
      %dma_start3A_98 = arith.constant 0 : i32
      %dma_start3A_99 = tpu.memref_slice %arg3[%dma_start3A_97, %dma_start3A_98] : memref<8192x1024xf32, #tpu.memory_space<hbm>> -> memref<8192x1024xf32, #tpu.memory_space<hbm>>
      tpu.enqueue_indirect_dma source(%dma_start3A_99 : memref<8192x1024xf32, #tpu.memory_space<hbm>>) target(%dma_start3A_94 : memref<32x1024xf32, #tpu.memory_space<vmem>>) offsets(%dma_start3A_96 : memref<32xi32, #tpu.memory_space<vmem>>) semaphore(%arg12 : memref<!tpu.dma_semaphore, #tpu.memory_space<semaphore_mem>>)
      %dma_start3A_100 = tpu.memref_reshape %arg9 : memref<4x8x1024xf32, #tpu.memory_space<vmem>> -> memref<32x1024xf32, #tpu.memory_space<vmem>>
      %dma_start3A_101 = arith.constant 64 : i32
      %dma_start3A_102 = tpu.memref_slice %arg6[%dma_start3A_101] : memref<128xi32, #tpu.memory_space<vmem>> -> memref<32xi32, #tpu.memory_space<vmem>>
      %dma_start3A_103 = arith.constant 0 : i32
      %dma_start3A_104 = arith.constant 0 : i32
      %dma_start3A_105 = tpu.memref_slice %arg3[%dma_start3A_103, %dma_start3A_104] : memref<8192x1024xf32, #tpu.memory_space<hbm>> -> memref<8192x1024xf32, #tpu.memory_space<hbm>>
      tpu.enqueue_indirect_dma source(%dma_start3A_105 : memref<8192x1024xf32, #tpu.memory_space<hbm>>) target(%dma_start3A_100 : memref<32x1024xf32, #tpu.memory_space<vmem>>) offsets(%dma_start3A_102 : memref<32xi32, #tpu.memory_space<vmem>>) semaphore(%arg13 : memref<!tpu.dma_semaphore, #tpu.memory_space<semaphore_mem>>)
      %dma_wait3A = tpu.memref_reshape %arg7 : memref<4x8x1024xf32, #tpu.memory_space<vmem>> -> memref<32x1024xf32, #tpu.memory_space<vmem>>
      %dma_wait3A_106 = arith.constant 0 : i32
      %dma_wait3A_107 = tpu.memref_slice %arg6[%dma_wait3A_106] : memref<128xi32, #tpu.memory_space<vmem>> -> memref<32xi32, #tpu.memory_space<vmem>>
      %dma_wait3A_108 = arith.constant 0 : i32
      %dma_wait3A_109 = arith.constant 0 : i32
      %dma_wait3A_110 = tpu.memref_slice %arg3[%dma_wait3A_108, %dma_wait3A_109] : memref<8192x1024xf32, #tpu.memory_space<hbm>> -> memref<8192x1024xf32, #tpu.memory_space<hbm>>
      tpu.wait_indirect_dma semaphore(%arg11 : memref<!tpu.dma_semaphore, #tpu.memory_space<semaphore_mem>>) src(%dma_wait3A_110 : memref<8192x1024xf32, #tpu.memory_space<hbm>>) dst(%dma_wait3A : memref<32x1024xf32, #tpu.memory_space<vmem>>)
      %add3A_111 = arith.constant 0 : i32
      %add3A_112 = arith.addi %mul3A_4, %add3A_111 : i32
      %dma_start3A_113 = arith.constant 0 : i32
      %dma_start3A_114 = arith.constant 0 : i32
      %dma_start3A_115 = tpu.memref_slice %arg4[%add3A_112, %dma_start3A_113, %dma_start3A_114] : memref<512x8x1024xf32, #tpu.memory_space<hbm>> -> memref<4x8x1024xf32, #tpu.memory_space<hbm>>
      %dma_start3A_116 = arith.constant 0 : i32
      %dma_start3A_117 = arith.constant 0 : i32
      %dma_start3A_118 = tpu.memref_slice %arg4[%add3A_112, %dma_start3A_116, %dma_start3A_117] : memref<512x8x1024xf32, #tpu.memory_space<hbm>> -> memref<4x8x1024xf32, #tpu.memory_space<hbm>>
      tpu.enqueue_dma source(%arg7 : memref<4x8x1024xf32, #tpu.memory_space<vmem>>) target(%dma_start3A_118 : memref<4x8x1024xf32, #tpu.memory_space<hbm>>) target_semaphore(%arg14 : memref<!tpu.dma_semaphore, #tpu.memory_space<semaphore_mem>>)
      %dma_wait3A_119 = tpu.memref_reshape %arg8 : memref<4x8x1024xf32, #tpu.memory_space<vmem>> -> memref<32x1024xf32, #tpu.memory_space<vmem>>
      %dma_wait3A_120 = arith.constant 32 : i32
      %dma_wait3A_121 = tpu.memref_slice %arg6[%dma_wait3A_120] : memref<128xi32, #tpu.memory_space<vmem>> -> memref<32xi32, #tpu.memory_space<vmem>>
      %dma_wait3A_122 = arith.constant 0 : i32
      %dma_wait3A_123 = arith.constant 0 : i32
      %dma_wait3A_124 = tpu.memref_slice %arg3[%dma_wait3A_122, %dma_wait3A_123] : memref<8192x1024xf32, #tpu.memory_space<hbm>> -> memref<8192x1024xf32, #tpu.memory_space<hbm>>
      tpu.wait_indirect_dma semaphore(%arg12 : memref<!tpu.dma_semaphore, #tpu.memory_space<semaphore_mem>>) src(%dma_wait3A_124 : memref<8192x1024xf32, #tpu.memory_space<hbm>>) dst(%dma_wait3A_119 : memref<32x1024xf32, #tpu.memory_space<vmem>>)
      %add3A_125 = arith.constant 4 : i32
      %add3A_126 = arith.addi %mul3A_4, %add3A_125 : i32
      %dma_start3A_127 = arith.constant 0 : i32
      %dma_start3A_128 = arith.constant 0 : i32
      %dma_start3A_129 = tpu.memref_slice %arg4[%add3A_126, %dma_start3A_127, %dma_start3A_128] : memref<512x8x1024xf32, #tpu.memory_space<hbm>> -> memref<4x8x1024xf32, #tpu.memory_space<hbm>>
      %dma_start3A_130 = arith.constant 0 : i32
      %dma_start3A_131 = arith.constant 0 : i32
      %dma_start3A_132 = tpu.memref_slice %arg4[%add3A_126, %dma_start3A_130, %dma_start3A_131] : memref<512x8x1024xf32, #tpu.memory_space<hbm>> -> memref<4x8x1024xf32, #tpu.memory_space<hbm>>
      tpu.enqueue_dma source(%arg8 : memref<4x8x1024xf32, #tpu.memory_space<vmem>>) target(%dma_start3A_132 : memref<4x8x1024xf32, #tpu.memory_space<hbm>>) target_semaphore(%arg15 : memref<!tpu.dma_semaphore, #tpu.memory_space<semaphore_mem>>)
      %dma_wait3A_133 = tpu.memref_reshape %arg9 : memref<4x8x1024xf32, #tpu.memory_space<vmem>> -> memref<32x1024xf32, #tpu.memory_space<vmem>>
      %dma_wait3A_134 = arith.constant 64 : i32
      %dma_wait3A_135 = tpu.memref_slice %arg6[%dma_wait3A_134] : memref<128xi32, #tpu.memory_space<vmem>> -> memref<32xi32, #tpu.memory_space<vmem>>
      %dma_wait3A_136 = arith.constant 0 : i32
      %dma_wait3A_137 = arith.constant 0 : i32
      %dma_wait3A_138 = tpu.memref_slice %arg3[%dma_wait3A_136, %dma_wait3A_137] : memref<8192x1024xf32, #tpu.memory_space<hbm>> -> memref<8192x1024xf32, #tpu.memory_space<hbm>>
      tpu.wait_indirect_dma semaphore(%arg13 : memref<!tpu.dma_semaphore, #tpu.memory_space<semaphore_mem>>) src(%dma_wait3A_138 : memref<8192x1024xf32, #tpu.memory_space<hbm>>) dst(%dma_wait3A_133 : memref<32x1024xf32, #tpu.memory_space<vmem>>)
      %add3A_139 = arith.constant 8 : i32
      %add3A_140 = arith.addi %mul3A_4, %add3A_139 : i32
      %dma_start3A_141 = arith.constant 0 : i32
      %dma_start3A_142 = arith.constant 0 : i32
      %dma_start3A_143 = tpu.memref_slice %arg4[%add3A_140, %dma_start3A_141, %dma_start3A_142] : memref<512x8x1024xf32, #tpu.memory_space<hbm>> -> memref<4x8x1024xf32, #tpu.memory_space<hbm>>
      %dma_start3A_144 = arith.constant 0 : i32
      %dma_start3A_145 = arith.constant 0 : i32
      %dma_start3A_146 = tpu.memref_slice %arg4[%add3A_140, %dma_start3A_144, %dma_start3A_145] : memref<512x8x1024xf32, #tpu.memory_space<hbm>> -> memref<4x8x1024xf32, #tpu.memory_space<hbm>>
      tpu.enqueue_dma source(%arg9 : memref<4x8x1024xf32, #tpu.memory_space<vmem>>) target(%dma_start3A_146 : memref<4x8x1024xf32, #tpu.memory_space<hbm>>) target_semaphore(%arg16 : memref<!tpu.dma_semaphore, #tpu.memory_space<semaphore_mem>>)
      %dma_wait3A_147 = arith.constant 0 : i32
      %dma_wait3A_148 = arith.constant 0 : i32
      %dma_wait3A_149 = tpu.memref_slice %arg4[%add3A_112, %dma_wait3A_147, %dma_wait3A_148] : memref<512x8x1024xf32, #tpu.memory_space<hbm>> -> memref<4x8x1024xf32, #tpu.memory_space<hbm>>
      %dma_wait3A_150 = arith.constant 0 : i32
      %dma_wait3A_151 = arith.constant 0 : i32
      %dma_wait3A_152 = tpu.memref_slice %arg4[%add3A_112, %dma_wait3A_150, %dma_wait3A_151] : memref<512x8x1024xf32, #tpu.memory_space<hbm>> -> memref<4x8x1024xf32, #tpu.memory_space<hbm>>
      tpu.wait_dma2 semaphore(%arg14 : memref<!tpu.dma_semaphore, #tpu.memory_space<semaphore_mem>>) src(%arg7 : memref<4x8x1024xf32, #tpu.memory_space<vmem>>) dst(%dma_wait3A_152 : memref<4x8x1024xf32, #tpu.memory_space<hbm>>)
      %dma_start3A_153 = tpu.memref_reshape %arg7 : memref<4x8x1024xf32, #tpu.memory_space<vmem>> -> memref<32x1024xf32, #tpu.memory_space<vmem>>
      %dma_start3A_154 = arith.constant 96 : i32
      %dma_start3A_155 = tpu.memref_slice %arg6[%dma_start3A_154] : memref<128xi32, #tpu.memory_space<vmem>> -> memref<32xi32, #tpu.memory_space<vmem>>
      %dma_start3A_156 = arith.constant 0 : i32
      %dma_start3A_157 = arith.constant 0 : i32
      %dma_start3A_158 = tpu.memref_slice %arg3[%dma_start3A_156, %dma_start3A_157] : memref<8192x1024xf32, #tpu.memory_space<hbm>> -> memref<8192x1024xf32, #tpu.memory_space<hbm>>
      tpu.enqueue_indirect_dma source(%dma_start3A_158 : memref<8192x1024xf32, #tpu.memory_space<hbm>>) target(%dma_start3A_153 : memref<32x1024xf32, #tpu.memory_space<vmem>>) offsets(%dma_start3A_155 : memref<32xi32, #tpu.memory_space<vmem>>) semaphore(%arg11 : memref<!tpu.dma_semaphore, #tpu.memory_space<semaphore_mem>>)
      %dma_wait3A_159 = tpu.memref_reshape %arg7 : memref<4x8x1024xf32, #tpu.memory_space<vmem>> -> memref<32x1024xf32, #tpu.memory_space<vmem>>
      %dma_wait3A_160 = arith.constant 96 : i32
      %dma_wait3A_161 = tpu.memref_slice %arg6[%dma_wait3A_160] : memref<128xi32, #tpu.memory_space<vmem>> -> memref<32xi32, #tpu.memory_space<vmem>>
      %dma_wait3A_162 = arith.constant 0 : i32
      %dma_wait3A_163 = arith.constant 0 : i32
      %dma_wait3A_164 = tpu.memref_slice %arg3[%dma_wait3A_162, %dma_wait3A_163] : memref<8192x1024xf32, #tpu.memory_space<hbm>> -> memref<8192x1024xf32, #tpu.memory_space<hbm>>
      tpu.wait_indirect_dma semaphore(%arg11 : memref<!tpu.dma_semaphore, #tpu.memory_space<semaphore_mem>>) src(%dma_wait3A_164 : memref<8192x1024xf32, #tpu.memory_space<hbm>>) dst(%dma_wait3A_159 : memref<32x1024xf32, #tpu.memory_space<vmem>>)
      %add3A_165 = arith.constant 12 : i32
      %add3A_166 = arith.addi %mul3A_4, %add3A_165 : i32
      %dma_start3A_167 = arith.constant 0 : i32
      %dma_start3A_168 = arith.constant 0 : i32
      %dma_start3A_169 = tpu.memref_slice %arg4[%add3A_166, %dma_start3A_167, %dma_start3A_168] : memref<512x8x1024xf32, #tpu.memory_space<hbm>> -> memref<4x8x1024xf32, #tpu.memory_space<hbm>>
      %dma_start3A_170 = arith.constant 0 : i32
      %dma_start3A_171 = arith.constant 0 : i32
      %dma_start3A_172 = tpu.memref_slice %arg4[%add3A_166, %dma_start3A_170, %dma_start3A_171] : memref<512x8x1024xf32, #tpu.memory_space<hbm>> -> memref<4x8x1024xf32, #tpu.memory_space<hbm>>
      tpu.enqueue_dma source(%arg7 : memref<4x8x1024xf32, #tpu.memory_space<vmem>>) target(%dma_start3A_172 : memref<4x8x1024xf32, #tpu.memory_space<hbm>>) target_semaphore(%arg14 : memref<!tpu.dma_semaphore, #tpu.memory_space<semaphore_mem>>)
      %dma_wait3A_173 = arith.constant 0 : i32
      %dma_wait3A_174 = arith.constant 0 : i32
      %dma_wait3A_175 = tpu.memref_slice %arg4[%add3A_126, %dma_wait3A_173, %dma_wait3A_174] : memref<512x8x1024xf32, #tpu.memory_space<hbm>> -> memref<4x8x1024xf32, #tpu.memory_space<hbm>>
      %dma_wait3A_176 = arith.constant 0 : i32
      %dma_wait3A_177 = arith.constant 0 : i32
      %dma_wait3A_178 = tpu.memref_slice %arg4[%add3A_126, %dma_wait3A_176, %dma_wait3A_177] : memref<512x8x1024xf32, #tpu.memory_space<hbm>> -> memref<4x8x1024xf32, #tpu.memory_space<hbm>>
      tpu.wait_dma2 semaphore(%arg15 : memref<!tpu.dma_semaphore, #tpu.memory_space<semaphore_mem>>) src(%arg8 : memref<4x8x1024xf32, #tpu.memory_space<vmem>>) dst(%dma_wait3A_178 : memref<4x8x1024xf32, #tpu.memory_space<hbm>>)
      %dma_wait3A_179 = arith.constant 0 : i32
      %dma_wait3A_180 = arith.constant 0 : i32
      %dma_wait3A_181 = tpu.memref_slice %arg4[%add3A_140, %dma_wait3A_179, %dma_wait3A_180] : memref<512x8x1024xf32, #tpu.memory_space<hbm>> -> memref<4x8x1024xf32, #tpu.memory_space<hbm>>
      %dma_wait3A_182 = arith.constant 0 : i32
      %dma_wait3A_183 = arith.constant 0 : i32
      %dma_wait3A_184 = tpu.memref_slice %arg4[%add3A_140, %dma_wait3A_182, %dma_wait3A_183] : memref<512x8x1024xf32, #tpu.memory_space<hbm>> -> memref<4x8x1024xf32, #tpu.memory_space<hbm>>
      tpu.wait_dma2 semaphore(%arg16 : memref<!tpu.dma_semaphore, #tpu.memory_space<semaphore_mem>>) src(%arg9 : memref<4x8x1024xf32, #tpu.memory_space<vmem>>) dst(%dma_wait3A_184 : memref<4x8x1024xf32, #tpu.memory_space<hbm>>)
      %dma_wait3A_185 = arith.constant 0 : i32
      %dma_wait3A_186 = arith.constant 0 : i32
      %dma_wait3A_187 = tpu.memref_slice %arg4[%add3A_166, %dma_wait3A_185, %dma_wait3A_186] : memref<512x8x1024xf32, #tpu.memory_space<hbm>> -> memref<4x8x1024xf32, #tpu.memory_space<hbm>>
      %dma_wait3A_188 = arith.constant 0 : i32
      %dma_wait3A_189 = arith.constant 0 : i32
      %dma_wait3A_190 = tpu.memref_slice %arg4[%add3A_166, %dma_wait3A_188, %dma_wait3A_189] : memref<512x8x1024xf32, #tpu.memory_space<hbm>> -> memref<4x8x1024xf32, #tpu.memory_space<hbm>>
      tpu.wait_dma2 semaphore(%arg14 : memref<!tpu.dma_semaphore, #tpu.memory_space<semaphore_mem>>) src(%arg7 : memref<4x8x1024xf32, #tpu.memory_space<vmem>>) dst(%dma_wait3A_190 : memref<4x8x1024xf32, #tpu.memory_space<hbm>>)
    } else {
    }
    return
  }
}

</mosaic_0001>

<sc_bundles>
// kernel: kernel.3.cloned.1.call-start
scs
__scs_entry_jumppad:
0x0: {  	(pc) =	sbr.rel $0x88, $3  }
0x1: {  	(tag) =	ssettag $0x0;
	lr =	simm.s32 $0x1  }
0x2: {  	[smem:$0x3F9F] =	sst lr;
	_ =	strace $0xD0000000  }
0x3: {  	_ = 	snop  }
0x4: {  	_ = 	snop  }
0x5: {  	_ = 	snop  }
0x6: {  	_ = 	snop  }
0x7: {  	_ = 	snop  }
__scs_overlays_trampoline_lowered:
0x8: {  	[smem:$0x3FAE] =	sst s0  }
0x9: {  	[smem:$0x3FAF] =	sst s1  }
0xa: {  	[smem:$0x3FB0] =	sst s2  }
0xb: {  	[smem:$0x3FB1] =	sst s3  }
0xc: {  	[smem:$0x3FB2] =	sst s4  }
0xd: {  	[smem:$0x3FB3] =	sst s5  }
0xe: {  	[smem:$0x3FB4] =	sst s6  }
0xf: {  	[smem:$0x3FB5] =	sst s7  }
0x10: {  	[smem:$0x3FB6] =	sst s8  }
0x11: {  	[smem:$0x3FB7] =	sst s9;
	s0 =	simm.s32 @!p0 $0x0  }
0x12: {  	s1 =	sld [smem:$0x3F9D];
	s0 =	simm.s32 @p0 $0x1  }
0x13: {  	[smem:$0x3FB8] =	sst s0;
	s0 =	simm.s32 @!p1 $0x0  }
0x14: {  	s2 =	sld [smem:$0x3F9C];
	s0 =	simm.s32 @p1 $0x1  }
0x15: {  	[smem:$0x3FB9] =	sst s0;
	s0 =	simm.s32 @!p2 $0x0  }
0x16: {  	s3 =	sld [smem:$0x3FDB];
	s0 =	simm.s32 @p2 $0x1  }
0x17: {  	s4 =	simm.s32 $0x1BF5;
	[smem:$0x3FBB] =	sst s0  }
0x18: {  	s0 =	sld [smem:$0x3F9E];
	_ =	swait.ge [sflag:s4], $0x0  }
0x19: {  	s7 =	sld [smem:$0x3F9F]  }
0x1a: {  	s8 =	sadd.s32 $0xFFFFE003, lr  }
0x1b: {  	s9 =	sadd.s32 $0xFFFFFEF7, lr;
	s5 =	simm.s32 $0xFFFFFFFF;
	p2 =	slt.u32 s8, $0xFFFFF086  }
0x1c: {  	p1 =	slt.u32 s9, $0xF7A;
	s5 =	simm.s32 @!p2 $0x0  }
0x1d: {  	s5 =	simm.s32 @p1 $0x1;
	p0 =	seq.s32 s7, s2  }
0x1e: {  	s7 =	smul.u32 @!p0 $0xF7A, s2;
	p2 =	seq.s32 @!p0 s5, $0x0  }
0x1f: {  	s9 =	smul.u32 $0xF7A, s1;
	s8 =	simm.s32 @!p0 $0x1BF5;
	p2 =	por !p2, p0  }
0x20: {  	[sflag:s8] =	ssyncset.s32 @!p0 $0xFFFFF086;
	s6 =	sadd.s32 @!p0 s3, s7;
	s7 =	simm.s32 @!p0 $0x108  }
0x21: {  	s3 =	sadd.s32 s3, s9;
	s6 =	sadd.s32 @!p0 $0x88, s6;
	s7 =	simm.s32 @p2 $0x1082  }
0x22: {  	[simem:s7], [sflag:s8] =	dma.local @!p0 [hbm:s6], $0xF7A  }
0x23: {  	s9 =	sor.u32 $0xD0000000, s2;
	s6 =	simm.s32 $0x108;
	_ =	swait.ge @!p0 [sflag:s8], $0x0  }
0x24: {  	s3 =	sadd.s32 $0x88, s3;
	s6 =	simm.s32 @!p1 $0x1082;
	[sflag:s4] =	ssyncset.s32 $0xFFFFF086  }
0x25: {  	[simem:s6], [sflag:s4] =	dma.local [hbm:s3], $0xF7A  }
0x26: {  	[smem:$0x3F9F] =	sst s1;
	(tag) =	ssettag s2;
	_ =	strace s9  }
0x27: {  	s1 =	sld [smem:$0x3FAF]  }
0x28: {  	s2 =	sld [smem:$0x3FB0]  }
0x29: {  	s4 =	sld [smem:$0x3FB2]  }
0x2a: {  	p0 =	seq.s32 s5, $0x0;
	s5 =	sld [smem:$0x3FB3]  }
0x2b: {  	s6 =	sld [smem:$0x3FB4]  }
0x2c: {  	s7 =	sld [smem:$0x3FB5]  }
0x2d: {  	s3 =	simm.s32 $0x108;
	s8 =	sld [smem:$0x3FB6]  }
0x2e: {  	s3 =	simm.s32 @!p0 $0x1082;
	s9 =	sld [smem:$0x3FB7]  }
0x2f: {  	lr =	sadd.s32 s0, s3;
	s0 =	sld [smem:$0x3FAE]  }
0x30: {  	s3 =	sld [smem:$0x3FB1]  }
0x31: {  	[smem:$0x3FBA] =	sst s10  }
0x32: {  	s10 =	sld [smem:$0x3FB8];
	_ =	sdelay $0x3  }
0x33: {  	p0 =	seq.s32 s10, $0x1;
	s10 =	sld [smem:$0x3FBA];
	_ =	sdelay $0x3  }
0x34: {  	[smem:$0x3FBA] =	sst s10  }
0x35: {  	s10 =	sld [smem:$0x3FB9];
	_ =	sdelay $0x3  }
0x36: {  	p1 =	seq.s32 s10, $0x1;
	s10 =	sld [smem:$0x3FBA];
	_ =	sdelay $0x3  }
0x37: {  	[smem:$0x3FBA] =	sst s10  }
0x38: {  	s10 =	sld [smem:$0x3FBB]  }
0x39: {  	_ = 	snop;
	(pc) =	sbr.ind lr, $3  }
0x3a: {  	_ = 	snop  }
0x3b: {  	_ = 	snop  }
0x3c: {  	p2 =	seq.s32 s10, $0x1;
	s10 =	sld [smem:$0x3FBA]  }
0x3d: {  	_ =	shalt  }
0x3e: {  	_ =	shalt  }
0x3f: {  	_ =	shalt  }
0x40: {  	_ =	shalt  }
0x41: {  	_ =	shalt  }
0x42: {  	_ =	shalt  }
0x43: {  	_ =	shalt  }
0x44: {  	_ =	shalt  }
0x45: {  	_ =	shalt  }
0x46: {  	_ =	shalt  }
0x47: {  	_ =	shalt  }
0x48: {  	_ =	shalt  }
0x49: {  	_ =	shalt  }
0x4a: {  	_ =	shalt  }
0x4b: {  	_ =	shalt  }
0x4c: {  	_ =	shalt  }
0x4d: {  	_ =	shalt  }
0x4e: {  	_ =	shalt  }
0x4f: {  	_ =	shalt  }
0x50: {  	_ =	shalt  }
0x51: {  	_ =	shalt  }
0x52: {  	_ =	shalt  }
0x53: {  	_ =	shalt  }
0x54: {  	_ =	shalt  }
0x55: {  	_ =	shalt  }
0x56: {  	_ =	shalt  }
0x57: {  	_ =	shalt  }
0x58: {  	_ =	shalt  }
0x59: {  	_ =	shalt  }
0x5a: {  	_ =	shalt  }
0x5b: {  	_ =	shalt  }
0x5c: {  	_ =	shalt  }
0x5d: {  	_ =	shalt  }
0x5e: {  	_ =	shalt  }
0x5f: {  	_ =	shalt  }
0x60: {  	_ =	shalt  }
0x61: {  	_ =	shalt  }
0x62: {  	_ =	shalt  }
0x63: {  	_ =	shalt  }
0x64: {  	_ =	shalt  }
0x65: {  	_ =	shalt  }
0x66: {  	_ =	shalt  }
0x67: {  	_ =	shalt  }
0x68: {  	_ =	shalt  }
0x69: {  	_ =	shalt  }
0x6a: {  	_ =	shalt  }
0x6b: {  	_ =	shalt  }
0x6c: {  	_ =	shalt  }
0x6d: {  	_ =	shalt  }
0x6e: {  	_ =	shalt  }
0x6f: {  	_ =	shalt  }
0x70: {  	_ =	shalt  }
0x71: {  	_ =	shalt  }
0x72: {  	_ =	shalt  }
0x73: {  	_ =	shalt  }
0x74: {  	_ =	shalt  }
0x75: {  	_ =	shalt  }
0x76: {  	_ =	shalt  }
0x77: {  	_ =	shalt  }
0x78: {  	_ =	shalt  }
0x79: {  	_ =	shalt  }
0x7a: {  	_ =	shalt  }
0x7b: {  	_ =	shalt  }
0x7c: {  	_ =	shalt  }
0x7d: {  	_ =	shalt  }
0x7e: {  	_ =	shalt  }
0x7f: {  	_ =	shalt  }
0x80: {  	_ =	shalt  }
0x81: {  	_ =	shalt  }
0x82: {  	_ =	shalt  }
0x83: {  	_ =	shalt  }
0x84: {  	_ =	shalt  }
0x85: {  	_ =	shalt  }
0x86: {  	_ =	shalt  }
0x87: {  	_ =	shalt  }
.Lfunc_end0:
.L_simem_size_0:
called_computation_lowered:
.L_overlay_start_0:
0x88: {  	s2 =	sld [smem:$0x3FD9]  }
0x89: {  	s3 =	sld [smem:$0x3FFE];
	_ =	sdelay $0x1  }
0x8a: {  	s1 =	srdreg.scid  }
0x8b: {  	s0 =	sand.u32 $0x1, s1  }
0x8c: {  	s17 =	sshll.u32 s0, $0xA;
	s2 =	sadd.s32 s3, s2  }
0x8d: {  	s2 =	sadd.s32 s2, s17  }
0x8e: {  	[smem:$0x3FC6] =	sst s2  }
0x8f: {  	_ = 	snop  }
0x90: {  	s2 =	sld [smem:$0x3FC9]  }
0x91: {  	s18 =	sld [smem:$0x3FD0];
	(tm) =	ssettm $0x1  }
0x92: {  	s4 =	sld [smem:$0x3FFB];
	_ =	sdelay $0x3  }
0x93: {  	_ =	strace s4  }
0x94: {  	s4 =	sld [smem:$0x3FFC];
	_ =	sdelay $0x3  }
0x95: {  	_ =	strace s4  }
0x96: {  	s4 =	sld [smem:$0x3FFD];
	_ =	sdelay $0x3  }
0x97: {  	_ =	strace s4  }
0x98: {  	_ =	strace $0x8FFFFFFF  }
0x99: {  	s19 =	sld [smem:$0x3FDB];
	_ =	sdelay $0x1  }
0x9a: {  	s5 =	simm.s32 $_scs_section_size  }
0x9b: {  	s6 =	simm.s32 $_size__tile_overlayer_lowered;
	s7 =	simm.s32 $_tile_overlayer_lowered  }
0x9c: {  	s22 =	simm.s32 $0x1BFF;
	s21 =	sshll.u32 s7, $0x1;
	s4 =	sadd.s32 s5, s19  }
0x9d: {  	s8 =	simm.s32 $0x0;
	s20 =	sshll.u32 s6, $0x1;
	s6 =	sadd.s32 s21, s4  }
0x9e: {  	[timem:s8], [sflag:s22] =	dma.local [hbm:s6], s20  }
0x9f: {  	_ =	swait.ge [sflag:s22], s20  }
0xa0: {  	s5 =	ssub.s32 $0x0, s20;
	[sflag:s22] =	ssyncset.done $0x0  }
0xa1: {  	[sflag:s22] =	ssyncadd.s32 s5;
	_ =	sdelay $0x1  }
0xa2: {  	s23 =	simm.s32 $0x1B8B  }
0xa3: {  	_ =	swait.ge [sflag:s23], $0x1  }
0xa4: {  	[sflag:s23] =	ssyncset.done $0x0  }
0xa5: {  	s25 =	simm.s32 $0x1B8E;
	s24 =	sld [smem:$0x3FFE];
	[sflag:s23] =	ssyncadd.s32 $0xFFFFFFFF  }
0xa6: {  	s26 =	simm.s32 $execute0_lowered;
	[smem:$0x3FD2] =	sst s25  }
0xa7: {  	s6 =	sshll.u32 s26, $0x1;
	_ =	strace $0x80000046;
	[dreg:$0x1] =	wrdreg $0xFFFFFFFF  }
0xa8: {  	s28 =	simm.s32 $_size_execute0_lowered;
	s4 =	sadd.s32 s4, s6;
	[dreg:$0x0] =	wrdreg $0x0  }
0xa9: {  	s6 =	sshll.u32 s28, $0x1;
	[dreg:$0x2] =	wrdreg s4  }
0xaa: {  	[dreg:$0x3] =	wrdreg s6  }
0xab: {  	[dreg:$0x4] =	wrdreg $0xC0  }
0xac: {  	_ =	task [dreg:s8], $0x5FFFF  }
0xad: {  	[dreg:$0x1] =	wrdreg $0xFFFFFFFF  }
0xae: {  	[dreg:$0x0] =	wrdreg $0x60  }
0xaf: {  	[dreg:$0x2] =	wrdreg s24  }
0xb0: {  	[dreg:$0x3] =	wrdreg s2  }
0xb1: {  	[dreg:$0x4] =	wrdreg s18  }
0xb2: {  	[dreg:$0x5] =	wrdreg $0x9  }
0xb3: {  	_ =	task.clear_ibuf [dreg:s8], $0x6FFFF;
	_ =	strace $0x90000046  }
0xb4: {  	s29 =	simm.s32 $0x9;
	_ =	strace $0x80000048  }
0xb5: {  	_ =	swait.ge [sflag:s29], $0x1  }
0xb6: {  	[sflag:s29] =	ssyncadd.s32 $0xFFFFFFFF  }
0xb7: {  	_ =	strace $0x90000048  }
0xb8: {  	_ =	sfence  }
0xb9: {  	s30 =	sld [smem:$0x0];
	_ =	sdelay $0x2  }
0xba: {  	s31 =	sshll.u32 s1, $0xD;
	s1 =	sshrl.u32 s1, $0x2  }
0xbb: {  	s3 =	sand.u32 $0x4000, s31;
	s1 =	sadd.s32 s1, s30  }
0xbc: {  	s0 =	sor.u32 s3, s0;
	s1 =	sshll.u32 s1, $0x11  }
0xbd: {  	s0 =	sor.u32 s1, s0  }
0xbe: {  	s0 =	sadd.s32 $0x8F2B, s0  }
0xbf: {  	[sflag:s0] =	ssyncadd.remote.s32 $0x1  }
0xc0: {  	_ =	sfence.sel $0xFFFF  }
0xc1: {  	[dreg:$0x0] =	wrdreg $0xFFFFFFFF;
	(pc) =	sbr.abs _section_cstart, $3  }
0xc2: {  	[dreg:$0x1] =	wrdreg $0xFFFFFFFF  }
0xc3: {  	_ =	task.clear_ibuf [dreg:s8], $0x2FFFF;
	_ =	strace $0x9FFFFFFF  }
0xc4: {  	(tm) =	ssettm $0x7FFFFFFF  }
0xc5: {  	_ =	shalt  }
tec
execute0_lowered:
.L_overlay_start_1:
0x0: {  	(tag) =	ssettag $0x1  }
0x1: {  	s0 =	rddreg [dreg:$0x0]  }
0x2: {  	s1 =	rddreg [dreg:$0x1]  }
0x3: {  	s2 =	rddreg [dreg:$0x2];
	s4 =	srdreg.scid;
	s3 =	simm.s32 $0x0  }
0x4: {  	s6 =	stileid.u32;
	s28 =	simm.s32 $0x6;
	s29 =	simm.s32 $0x7  }
0x5: {  	s14 =	simm.s32 $0x1900;
	s15 =	simm.s32 $0x2100;
	s16 =	simm.s32 $0x2900  }
0x6: {  	s11 =	simm.s32 $0x4900;
	s12 =	simm.s32 $0x5100;
	s30 =	simm.s32 $0x5900  }
0x7: {  	s31 =	simm.s32 $0x6100;
	s4 =	sand.u32 $0x1, s4;
	[smem:$0x7FF] =	sst s3  }
0x8: {  	s6 =	sshll.u32 s6, $0x1;
	s0 =	sadd.s32 $0x400, s0;
	s8 =	sadd.s32 $0x200, s1  }
0x9: {  	s9 =	sadd.s32 $0x300, s1;
	s5 =	ssub.s32 $0x2, s4;
	s10 =	sor.u32 s4, s6  }
0xa: {  	_ =	strace $0x80000047;
	[dreg:$0xd] =	wrdreg s0;
	s6 =	sshll.u32 s10, $0x7  }
0xb: {  	s18 =	sshll.u32 s10, $0xE;
	s22 =	sshll.u32 s10, $0x4;
	[dreg:$0x4] =	wrdreg s6  }
0xc: {  	s7 =	sshrl.u32 s5, $0x1;
	s19 =	sadd.s32 s2, s18;
	[dreg:$0x8] =	wrdreg s22  }
0xd: {  	s10 =	simm.s32 $0x4100;
	s2 =	sadd.s32 $0x1000, s19;
	[dreg:$0xe] =	wrdreg s19  }
0xe: {  	s17 =	ssub.s32 s5, s7;
	s20 =	sadd.s32 $0x2000, s19;
	[dreg:$0x5] =	wrdreg s2  }
0xf: {  	s6 =	sadd.s32 $0x100, s1;
	s21 =	sadd.s32 $0x3000, s19;
	[dreg:$0x6] =	wrdreg s20  }
0x10: {  	s22 =	simm.s32 $0x7100;
	s23 =	sadd.s32 $0x800, s19;
	[dreg:$0x7] =	wrdreg s21  }
0x11: {  	s7 =	simm.s32 $0x10100;
	s24 =	sadd.s32 $0x1800, s19;
	[dreg:$0x9] =	wrdreg s23  }
.Ltmp0:
0x12: {  	s25 =	sadd.s32 $0x2800, s19;
	[dreg:$0xa] =	wrdreg s24;
	(pc) =	sbr.rel .LBB2_1-.Ltmp0, $4  }
0x13: {  	s26 =	sadd.s32 $0x3800, s19;
	s18 =	smax.u32 s17, $0x1;
	[dreg:$0xb] =	wrdreg s25  }
0x14: {  	v0 =	vlaneseq.u32;
	s17 =	simm.s32 $0x3100;
	s19 =	simm.s32 $0x8100;
	[dreg:$0xc] =	wrdreg s26  }
0x15: {  	vm0 =	vmmov $0xffff;
	v2 =	vshrl.u32 v0, $0x3;
	s20 =	simm.s32 $0x100;
	s23 =	simm.s32 $0x2;
	s24 =	simm.s32 $0x3  }
0x16: {  	v1 =	vand.u32 $0x7, v0;
	v3 =	vor.u32 $0x8, v0;
	v2 =	vmul.u32 $0x8, v2;
	s25 =	simm.s32 $0x4;
	s26 =	simm.s32 $0x5;
	s21 =	simm.s32 $0x7900  }
.LBB2_3:
0x17: {  	s13 =	rddreg [dreg:$0x4]  }
0x18: {  	s0 =	sshll.u32 s0, $0x3;
	s2 =	sadd.s32 s13, s2  }
0x19: {  	s0 =	sadd.s32 s0, s2  }
0x1a: {  	v4 =	vadd.s32 s0, v0  }
0x1b: {  	v5 =	vshll.u32 v4, $0x3  }
0x1c: {  	s2 =	sadd.s32 $0x10, s0;
	v6 =	vand.u32 $0x7, v4;
	v5 =	vand.u32 $0xFFFFFFC0, v5  }
0x1d: {  	s4 =	sadd.s32 $0x20, s0;
	[tilespmem:$0x80] =	vst v4;
	v4 =	vadd.s32 s2, v0;
	v5 =	vor.u32 v6, v5  }
0x1e: {  	s5 =	sadd.s32 $0x30, s0;
	[tilespmem:$0x90] =	vst v4;
	v4 =	vadd.s32 s4, v0;
	v6 =	vperm.xlane v5, v1  }
0x1f: {  	s13 =	sadd.s32 $0x40, s0;
	[tilespmem:$0xA0] =	vst v4;
	v4 =	vadd.s32 s5, v0  }
0x20: {  	s5 =	sadd.s32 $0x60, s0;
	[tilespmem:$0xB0] =	vst v4;
	v4 =	vadd.s32 s13, v0;
	v6 =	vadd.s32 v2, v6  }
0x21: {  	s4 =	sadd.s32 $0x50, s0;
	v7 =	vadd.s32 s5, v0;
	[tilespmem:$0xC0] =	vst v4  }
0x22: {  	s0 =	sadd.s32 $0x70, s0;
	v4 =	vadd.s32 s4, v0;
	[tilespmem:$0xE0] =	vst v7  }
0x23: {  	[tilespmem:$0xD0] =	vst v4;
	v4 =	vadd.s32 s0, v0  }
0x24: {  	[tilespmem:$0xF0] =	vst v4  }
0x25: {  	[tilespmem:s20], [sflag:$0x2] =	stream.indirect_vreg.gather [hbm4b:s1+s3], $0x80, v6, vm0, $0xb8;
	[tilespmem:$0x18100] =	vst v63  }
0x26: {  	s2 =	simm.s32 $0x900;
	v4 =	vperm.xlane v5, v3  }
0x27: {  	[tilespmem:s2], [sflag:$0x2] =	stream.indirect_vreg.gather [hbm4b:s6+s3], $0x80, v6, vm0, $0xb8;
	[tilespmem:$0x18100] =	vst v63  }
0x28: {  	s13 =	simm.s32 $0x1100;
	v4 =	vadd.s32 v2, v4  }
0x29: {  	[tilespmem:s13], [sflag:$0x2] =	stream.indirect_vreg.gather [hbm4b:s8+s3], $0x80, v6, vm0, $0xb8;
	[tilespmem:$0x18100] =	vst v63  }
0x2a: {  	_ = 	snop  }
0x2b: {  	[tilespmem:s14], [sflag:$0x2] =	stream.indirect_vreg.gather [hbm4b:s9+s3], $0x80, v6, vm0, $0xb8;
	[tilespmem:$0x18100] =	vst v63  }
0x2c: {  	_ = 	snop  }
0x2d: {  	[tilespmem:s15], [sflag:$0x2] =	stream.indirect_vreg.gather [hbm4b:s1+s3], $0x80, v4, vm0, $0xb8;
	[tilespmem:$0x18100] =	vst v63  }
0x2e: {  	_ = 	snop  }
0x2f: {  	[tilespmem:s16], [sflag:$0x2] =	stream.indirect_vreg.gather [hbm4b:s6+s3], $0x80, v4, vm0, $0xb8;
	[tilespmem:$0x18100] =	vst v63  }
0x30: {  	_ = 	snop  }
0x31: {  	[tilespmem:s17], [sflag:$0x2] =	stream.indirect_vreg.gather [hbm4b:s8+s3], $0x80, v4, vm0, $0xb8;
	[tilespmem:$0x18100] =	vst v63  }
0x32: {  	s5 =	simm.s32 $0x3900  }
0x33: {  	[tilespmem:s5], [sflag:$0x2] =	stream.indirect_vreg.gather [hbm4b:s9+s3], $0x80, v4, vm0, $0xb8;
	[tilespmem:$0x18100] =	vst v63  }
0x34: {  	v4 =	vld [tilespmem:$0x90];
	_ =	sdelay $0x4  }
0x35: {  	v5 =	vshll.u32 v4, $0x3  }
0x36: {  	v4 =	vand.u32 $0x7, v4;
	v5 =	vand.u32 $0xFFFFFFC0, v5  }
0x37: {  	v4 =	vor.u32 v4, v5  }
0x38: {  	v5 =	vperm.xlane v4, v1;
	_ =	sdelay $0x1  }
0x39: {  	v5 =	vadd.s32 v2, v5;
	_ =	sdelay $0x4  }
0x3a: {  	[tilespmem:s10], [sflag:$0x2] =	stream.indirect_vreg.gather [hbm4b:s1+s3], $0x80, v5, vm0, $0xb8;
	[tilespmem:$0x18100] =	vst v63  }
0x3b: {  	v4 =	vperm.xlane v4, v3  }
0x3c: {  	[tilespmem:s11], [sflag:$0x2] =	stream.indirect_vreg.gather [hbm4b:s6+s3], $0x80, v5, vm0, $0xb8;
	[tilespmem:$0x18100] =	vst v63  }
0x3d: {  	v4 =	vadd.s32 v2, v4  }
0x3e: {  	[tilespmem:s12], [sflag:$0x2] =	stream.indirect_vreg.gather [hbm4b:s8+s3], $0x80, v5, vm0, $0xb8;
	[tilespmem:$0x18100] =	vst v63  }
0x3f: {  	_ = 	snop  }
0x40: {  	[tilespmem:s30], [sflag:$0x2] =	stream.indirect_vreg.gather [hbm4b:s9+s3], $0x80, v5, vm0, $0xb8;
	[tilespmem:$0x18100] =	vst v63  }
0x41: {  	_ = 	snop  }
0x42: {  	[tilespmem:s31], [sflag:$0x2] =	stream.indirect_vreg.gather [hbm4b:s1+s3], $0x80, v4, vm0, $0xb8;
	[tilespmem:$0x18100] =	vst v63  }
0x43: {  	s4 =	simm.s32 $0x6900  }
0x44: {  	[tilespmem:s4], [sflag:$0x2] =	stream.indirect_vreg.gather [hbm4b:s6+s3], $0x80, v4, vm0, $0xb8;
	[tilespmem:$0x18100] =	vst v63  }
0x45: {  	_ = 	snop  }
0x46: {  	[tilespmem:s22], [sflag:$0x2] =	stream.indirect_vreg.gather [hbm4b:s8+s3], $0x80, v4, vm0, $0xb8;
	[tilespmem:$0x18100] =	vst v63  }
0x47: {  	_ = 	snop  }
0x48: {  	[tilespmem:s21], [sflag:$0x2] =	stream.indirect_vreg.gather [hbm4b:s9+s3], $0x80, v4, vm0, $0xb8;
	[tilespmem:$0x18100] =	vst v63  }
0x49: {  	v4 =	vld [tilespmem:$0xA0];
	_ =	sdelay $0x4  }
0x4a: {  	v5 =	vshll.u32 v4, $0x3  }
0x4b: {  	v4 =	vand.u32 $0x7, v4;
	v5 =	vand.u32 $0xFFFFFFC0, v5  }
0x4c: {  	v4 =	vor.u32 v4, v5  }
0x4d: {  	v5 =	vperm.xlane v4, v1;
	_ =	sdelay $0x1  }
0x4e: {  	v5 =	vadd.s32 v2, v5;
	_ =	sdelay $0x4  }
0x4f: {  	[tilespmem:s19], [sflag:$0x3] =	stream.indirect_vreg.gather [hbm4b:s1+s3], $0x80, v5, vm0, $0xb8;
	[tilespmem:$0x18100] =	vst v63  }
0x50: {  	s0 =	simm.s32 $0x8900;
	v4 =	vperm.xlane v4, v3  }
0x51: {  	[tilespmem:s0], [sflag:$0x3] =	stream.indirect_vreg.gather [hbm4b:s6+s3], $0x80, v5, vm0, $0xb8;
	[tilespmem:$0x18100] =	vst v63  }
0x52: {  	v4 =	vadd.s32 v2, v4;
	s0 =	simm.s32 $0x9100  }
0x53: {  	[tilespmem:s0], [sflag:$0x3] =	stream.indirect_vreg.gather [hbm4b:s8+s3], $0x80, v5, vm0, $0xb8;
	[tilespmem:$0x18100] =	vst v63  }
0x54: {  	s0 =	simm.s32 $0x9900  }
0x55: {  	[tilespmem:s0], [sflag:$0x3] =	stream.indirect_vreg.gather [hbm4b:s9+s3], $0x80, v5, vm0, $0xb8;
	[tilespmem:$0x18100] =	vst v63  }
0x56: {  	s0 =	simm.s32 $0xA100  }
0x57: {  	[tilespmem:s0], [sflag:$0x3] =	stream.indirect_vreg.gather [hbm4b:s1+s3], $0x80, v4, vm0, $0xb8;
	[tilespmem:$0x18100] =	vst v63  }
0x58: {  	s0 =	simm.s32 $0xA900  }
0x59: {  	[tilespmem:s0], [sflag:$0x3] =	stream.indirect_vreg.gather [hbm4b:s6+s3], $0x80, v4, vm0, $0xb8;
	[tilespmem:$0x18100] =	vst v63  }
0x5a: {  	s0 =	simm.s32 $0xB100  }
0x5b: {  	[tilespmem:s0], [sflag:$0x3] =	stream.indirect_vreg.gather [hbm4b:s8+s3], $0x80, v4, vm0, $0xb8;
	[tilespmem:$0x18100] =	vst v63  }
0x5c: {  	s0 =	simm.s32 $0xB900  }
0x5d: {  	[tilespmem:s0], [sflag:$0x3] =	stream.indirect_vreg.gather [hbm4b:s9+s3], $0x80, v4, vm0, $0xb8;
	[tilespmem:$0x18100] =	vst v63  }
0x5e: {  	v4 =	vld [tilespmem:$0xB0];
	_ =	sdelay $0x4  }
0x5f: {  	v5 =	vshll.u32 v4, $0x3  }
0x60: {  	v4 =	vand.u32 $0x7, v4;
	v5 =	vand.u32 $0xFFFFFFC0, v5  }
0x61: {  	v4 =	vor.u32 v4, v5  }
0x62: {  	v5 =	vperm.xlane v4, v1;
	_ =	sdelay $0x1  }
0x63: {  	v5 =	vadd.s32 v2, v5;
	_ =	sdelay $0x3  }
0x64: {  	s0 =	simm.s32 $0xC100  }
0x65: {  	[tilespmem:s0], [sflag:$0x3] =	stream.indirect_vreg.gather [hbm4b:s1+s3], $0x80, v5, vm0, $0xb8;
	[tilespmem:$0x18100] =	vst v63  }
0x66: {  	v4 =	vperm.xlane v4, v3;
	s0 =	simm.s32 $0xC900  }
0x67: {  	[tilespmem:s0], [sflag:$0x3] =	stream.indirect_vreg.gather [hbm4b:s6+s3], $0x80, v5, vm0, $0xb8;
	[tilespmem:$0x18100] =	vst v63  }
0x68: {  	v4 =	vadd.s32 v2, v4;
	s0 =	simm.s32 $0xD100  }
0x69: {  	[tilespmem:s0], [sflag:$0x3] =	stream.indirect_vreg.gather [hbm4b:s8+s3], $0x80, v5, vm0, $0xb8;
	[tilespmem:$0x18100] =	vst v63  }
0x6a: {  	s0 =	simm.s32 $0xD900  }
0x6b: {  	[tilespmem:s0], [sflag:$0x3] =	stream.indirect_vreg.gather [hbm4b:s9+s3], $0x80, v5, vm0, $0xb8;
	[tilespmem:$0x18100] =	vst v63  }
0x6c: {  	s0 =	simm.s32 $0xE100  }
0x6d: {  	[tilespmem:s0], [sflag:$0x3] =	stream.indirect_vreg.gather [hbm4b:s1+s3], $0x80, v4, vm0, $0xb8;
	[tilespmem:$0x18100] =	vst v63  }
0x6e: {  	s0 =	simm.s32 $0xE900  }
0x6f: {  	[tilespmem:s0], [sflag:$0x3] =	stream.indirect_vreg.gather [hbm4b:s6+s3], $0x80, v4, vm0, $0xb8;
	[tilespmem:$0x18100] =	vst v63  }
0x70: {  	s0 =	simm.s32 $0xF100  }
0x71: {  	[tilespmem:s0], [sflag:$0x3] =	stream.indirect_vreg.gather [hbm4b:s8+s3], $0x80, v4, vm0, $0xb8;
	[tilespmem:$0x18100] =	vst v63  }
0x72: {  	s0 =	simm.s32 $0xF900  }
0x73: {  	[tilespmem:s0], [sflag:$0x3] =	stream.indirect_vreg.gather [hbm4b:s9+s3], $0x80, v4, vm0, $0xb8;
	[tilespmem:$0x18100] =	vst v63  }
0x74: {  	v4 =	vld [tilespmem:$0xC0];
	_ =	sdelay $0x4  }
0x75: {  	v5 =	vshll.u32 v4, $0x3  }
0x76: {  	v4 =	vand.u32 $0x7, v4;
	v5 =	vand.u32 $0xFFFFFFC0, v5  }
0x77: {  	v4 =	vor.u32 v4, v5  }
0x78: {  	v5 =	vperm.xlane v4, v1;
	_ =	sdelay $0x1  }
0x79: {  	v5 =	vadd.s32 v2, v5;
	_ =	sdelay $0x4  }
0x7a: {  	[tilespmem:s7], [sflag:$0x4] =	stream.indirect_vreg.gather [hbm4b:s1+s3], $0x80, v5, vm0, $0xb8;
	[tilespmem:$0x18100] =	vst v63  }
0x7b: {  	s0 =	simm.s32 $0x10900;
	v4 =	vperm.xlane v4, v3  }
0x7c: {  	[tilespmem:s0], [sflag:$0x4] =	stream.indirect_vreg.gather [hbm4b:s6+s3], $0x80, v5, vm0, $0xb8;
	[tilespmem:$0x18100] =	vst v63  }
0x7d: {  	v4 =	vadd.s32 v2, v4;
	s0 =	simm.s32 $0x11100  }
0x7e: {  	[tilespmem:s0], [sflag:$0x4] =	stream.indirect_vreg.gather [hbm4b:s8+s3], $0x80, v5, vm0, $0xb8;
	[tilespmem:$0x18100] =	vst v63  }
0x7f: {  	s0 =	simm.s32 $0x11900  }
0x80: {  	[tilespmem:s0], [sflag:$0x4] =	stream.indirect_vreg.gather [hbm4b:s9+s3], $0x80, v5, vm0, $0xb8;
	[tilespmem:$0x18100] =	vst v63  }
0x81: {  	s0 =	simm.s32 $0x12100  }
0x82: {  	[tilespmem:s0], [sflag:$0x4] =	stream.indirect_vreg.gather [hbm4b:s1+s3], $0x80, v4, vm0, $0xb8;
	[tilespmem:$0x18100] =	vst v63  }
0x83: {  	s0 =	simm.s32 $0x12900  }
0x84: {  	[tilespmem:s0], [sflag:$0x4] =	stream.indirect_vreg.gather [hbm4b:s6+s3], $0x80, v4, vm0, $0xb8;
	[tilespmem:$0x18100] =	vst v63  }
0x85: {  	s0 =	simm.s32 $0x13100  }
0x86: {  	[tilespmem:s0], [sflag:$0x4] =	stream.indirect_vreg.gather [hbm4b:s8+s3], $0x80, v4, vm0, $0xb8;
	[tilespmem:$0x18100] =	vst v63  }
0x87: {  	s0 =	simm.s32 $0x13900  }
0x88: {  	[tilespmem:s0], [sflag:$0x4] =	stream.indirect_vreg.gather [hbm4b:s9+s3], $0x80, v4, vm0, $0xb8;
	[tilespmem:$0x18100] =	vst v63  }
0x89: {  	v4 =	vld [tilespmem:$0xD0];
	_ =	sdelay $0x4  }
0x8a: {  	v5 =	vshll.u32 v4, $0x3  }
0x8b: {  	v4 =	vand.u32 $0x7, v4;
	v5 =	vand.u32 $0xFFFFFFC0, v5  }
0x8c: {  	v4 =	vor.u32 v4, v5  }
0x8d: {  	v5 =	vperm.xlane v4, v1;
	_ =	sdelay $0x1  }
0x8e: {  	v5 =	vadd.s32 v2, v5;
	_ =	sdelay $0x3  }
0x8f: {  	s0 =	simm.s32 $0x14100  }
0x90: {  	[tilespmem:s0], [sflag:$0x4] =	stream.indirect_vreg.gather [hbm4b:s1+s3], $0x80, v5, vm0, $0xb8;
	[tilespmem:$0x18100] =	vst v63  }
0x91: {  	v4 =	vperm.xlane v4, v3;
	s0 =	simm.s32 $0x14900  }
0x92: {  	[tilespmem:s0], [sflag:$0x4] =	stream.indirect_vreg.gather [hbm4b:s6+s3], $0x80, v5, vm0, $0xb8;
	[tilespmem:$0x18100] =	vst v63  }
0x93: {  	v4 =	vadd.s32 v2, v4;
	s0 =	simm.s32 $0x15100  }
0x94: {  	[tilespmem:s0], [sflag:$0x4] =	stream.indirect_vreg.gather [hbm4b:s8+s3], $0x80, v5, vm0, $0xb8;
	[tilespmem:$0x18100] =	vst v63  }
0x95: {  	s0 =	simm.s32 $0x15900  }
0x96: {  	[tilespmem:s0], [sflag:$0x4] =	stream.indirect_vreg.gather [hbm4b:s9+s3], $0x80, v5, vm0, $0xb8;
	[tilespmem:$0x18100] =	vst v63  }
0x97: {  	s0 =	simm.s32 $0x16100  }
0x98: {  	[tilespmem:s0], [sflag:$0x4] =	stream.indirect_vreg.gather [hbm4b:s1+s3], $0x80, v4, vm0, $0xb8;
	[tilespmem:$0x18100] =	vst v63  }
0x99: {  	s0 =	simm.s32 $0x16900  }
0x9a: {  	[tilespmem:s0], [sflag:$0x4] =	stream.indirect_vreg.gather [hbm4b:s6+s3], $0x80, v4, vm0, $0xb8;
	[tilespmem:$0x18100] =	vst v63  }
0x9b: {  	s0 =	simm.s32 $0x17100  }
0x9c: {  	[tilespmem:s0], [sflag:$0x4] =	stream.indirect_vreg.gather [hbm4b:s8+s3], $0x80, v4, vm0, $0xb8;
	[tilespmem:$0x18100] =	vst v63  }
0x9d: {  	s0 =	simm.s32 $0x17900  }
0x9e: {  	[tilespmem:s0], [sflag:$0x4] =	stream.indirect_vreg.gather [hbm4b:s9+s3], $0x80, v4, vm0, $0xb8;
	[tilespmem:$0x18100] =	vst v63  }
0x9f: {  	_ =	swait.ge [sflag:s23], $0x8000  }
0xa0: {  	[sflag:s23] =	ssyncset.done $0x0  }
0xa1: {  	s0 =	rddreg [dreg:$0xe];
	[sflag:s23] =	ssyncadd.s32 $0xFFFF8000  }
0xa2: {  	[hbm4b:s0+s3] =	stream.linear.scatter [tilespmem:s20], [sflag:$0x5], $0x8000, $0x38;
	[tilespmem:$0x18100] =	vst v63  }
0xa3: {  	_ =	swait.ge [sflag:s24], $0x8000  }
0xa4: {  	[sflag:s24] =	ssyncset.done $0x0  }
0xa5: {  	s0 =	rddreg [dreg:$0x5];
	[sflag:s24] =	ssyncadd.s32 $0xFFFF8000  }
0xa6: {  	[hbm4b:s0+s3] =	stream.linear.scatter [tilespmem:s19], [sflag:$0x6], $0x8000, $0x38;
	[tilespmem:$0x18100] =	vst v63  }
0xa7: {  	_ =	swait.ge [sflag:s25], $0x8000  }
0xa8: {  	[sflag:s25] =	ssyncset.done $0x0  }
0xa9: {  	s0 =	rddreg [dreg:$0x6];
	[sflag:s25] =	ssyncadd.s32 $0xFFFF8000  }
0xaa: {  	[hbm4b:s0+s3] =	stream.linear.scatter [tilespmem:s7], [sflag:$0x7], $0x8000, $0x38;
	[tilespmem:$0x18100] =	vst v63  }
0xab: {  	_ =	swait.ge [sflag:s26], $0x8000  }
0xac: {  	[sflag:s26] =	ssyncset.done $0x0  }
0xad: {  	[sflag:s26] =	ssyncadd.s32 $0xFFFF8000  }
0xae: {  	v4 =	vld [tilespmem:$0xE0];
	_ =	sdelay $0x4  }
0xaf: {  	v5 =	vshll.u32 v4, $0x3  }
0xb0: {  	v4 =	vand.u32 $0x7, v4;
	v5 =	vand.u32 $0xFFFFFFC0, v5  }
0xb1: {  	v4 =	vor.u32 v4, v5  }
0xb2: {  	v5 =	vperm.xlane v4, v1;
	_ =	sdelay $0x1  }
0xb3: {  	v5 =	vadd.s32 v2, v5;
	_ =	sdelay $0x4  }
0xb4: {  	[tilespmem:s20], [sflag:$0x2] =	stream.indirect_vreg.gather [hbm4b:s1+s3], $0x80, v5, vm0, $0xb8;
	[tilespmem:$0x18100] =	vst v63  }
0xb5: {  	v4 =	vperm.xlane v4, v3  }
0xb6: {  	[tilespmem:s2], [sflag:$0x2] =	stream.indirect_vreg.gather [hbm4b:s6+s3], $0x80, v5, vm0, $0xb8;
	[tilespmem:$0x18100] =	vst v63  }
0xb7: {  	v4 =	vadd.s32 v2, v4  }
0xb8: {  	[tilespmem:s13], [sflag:$0x2] =	stream.indirect_vreg.gather [hbm4b:s8+s3], $0x80, v5, vm0, $0xb8;
	[tilespmem:$0x18100] =	vst v63  }
0xb9: {  	_ = 	snop  }
0xba: {  	[tilespmem:s14], [sflag:$0x2] =	stream.indirect_vreg.gather [hbm4b:s9+s3], $0x80, v5, vm0, $0xb8;
	[tilespmem:$0x18100] =	vst v63  }
0xbb: {  	_ = 	snop  }
0xbc: {  	[tilespmem:s15], [sflag:$0x2] =	stream.indirect_vreg.gather [hbm4b:s1+s3], $0x80, v4, vm0, $0xb8;
	[tilespmem:$0x18100] =	vst v63  }
0xbd: {  	_ = 	snop  }
0xbe: {  	[tilespmem:s16], [sflag:$0x2] =	stream.indirect_vreg.gather [hbm4b:s6+s3], $0x80, v4, vm0, $0xb8;
	[tilespmem:$0x18100] =	vst v63  }
0xbf: {  	_ = 	snop  }
0xc0: {  	[tilespmem:s17], [sflag:$0x2] =	stream.indirect_vreg.gather [hbm4b:s8+s3], $0x80, v4, vm0, $0xb8;
	[tilespmem:$0x18100] =	vst v63  }
0xc1: {  	_ = 	snop  }
0xc2: {  	[tilespmem:s5], [sflag:$0x2] =	stream.indirect_vreg.gather [hbm4b:s9+s3], $0x80, v4, vm0, $0xb8;
	[tilespmem:$0x18100] =	vst v63  }
0xc3: {  	v4 =	vld [tilespmem:$0xF0];
	_ =	sdelay $0x4  }
0xc4: {  	v5 =	vshll.u32 v4, $0x3  }
0xc5: {  	v4 =	vand.u32 $0x7, v4;
	v5 =	vand.u32 $0xFFFFFFC0, v5  }
0xc6: {  	v4 =	vor.u32 v4, v5  }
0xc7: {  	v5 =	vperm.xlane v4, v1;
	_ =	sdelay $0x1  }
0xc8: {  	v5 =	vadd.s32 v2, v5;
	_ =	sdelay $0x4  }
0xc9: {  	[tilespmem:s10], [sflag:$0x2] =	stream.indirect_vreg.gather [hbm4b:s1+s3], $0x80, v5, vm0, $0xb8;
	[tilespmem:$0x18100] =	vst v63  }
0xca: {  	v4 =	vperm.xlane v4, v3  }
0xcb: {  	[tilespmem:s11], [sflag:$0x2] =	stream.indirect_vreg.gather [hbm4b:s6+s3], $0x80, v5, vm0, $0xb8;
	[tilespmem:$0x18100] =	vst v63  }
0xcc: {  	v4 =	vadd.s32 v2, v4  }
0xcd: {  	[tilespmem:s12], [sflag:$0x2] =	stream.indirect_vreg.gather [hbm4b:s8+s3], $0x80, v5, vm0, $0xb8;
	[tilespmem:$0x18100] =	vst v63  }
0xce: {  	_ = 	snop  }
0xcf: {  	[tilespmem:s30], [sflag:$0x2] =	stream.indirect_vreg.gather [hbm4b:s9+s3], $0x80, v5, vm0, $0xb8;
	[tilespmem:$0x18100] =	vst v63  }
0xd0: {  	_ = 	snop  }
0xd1: {  	[tilespmem:s31], [sflag:$0x2] =	stream.indirect_vreg.gather [hbm4b:s1+s3], $0x80, v4, vm0, $0xb8;
	[tilespmem:$0x18100] =	vst v63  }
0xd2: {  	_ = 	snop  }
0xd3: {  	[tilespmem:s4], [sflag:$0x2] =	stream.indirect_vreg.gather [hbm4b:s6+s3], $0x80, v4, vm0, $0xb8;
	[tilespmem:$0x18100] =	vst v63  }
0xd4: {  	_ = 	snop  }
0xd5: {  	[tilespmem:s22], [sflag:$0x2] =	stream.indirect_vreg.gather [hbm4b:s8+s3], $0x80, v4, vm0, $0xb8;
	[tilespmem:$0x18100] =	vst v63  }
0xd6: {  	_ = 	snop  }
0xd7: {  	[tilespmem:s21], [sflag:$0x2] =	stream.indirect_vreg.gather [hbm4b:s9+s3], $0x80, v4, vm0, $0xb8;
	[tilespmem:$0x18100] =	vst v63  }
0xd8: {  	_ =	swait.ge [sflag:s23], $0x8000  }
0xd9: {  	[sflag:s23] =	ssyncset.done $0x0  }
0xda: {  	s13 =	rddreg [dreg:$0x7];
	[sflag:s23] =	ssyncadd.s32 $0xFFFF8000  }
0xdb: {  	[hbm4b:s13+s3] =	stream.linear.scatter [tilespmem:s20], [sflag:$0x5], $0x8000, $0x38;
	[tilespmem:$0x18100] =	vst v63  }
0xdc: {  	_ =	swait.ge [sflag:s28], $0x8000  }
0xdd: {  	[sflag:s28] =	ssyncset.done $0x0  }
0xde: {  	[sflag:s28] =	ssyncadd.s32 $0xFFFF8000  }
0xdf: {  	_ =	swait.ge [sflag:s29], $0x8000  }
0xe0: {  	[sflag:s29] =	ssyncset.done $0x0  }
0xe1: {  	[sflag:s29] =	ssyncadd.s32 $0xFFFF8000  }
0xe2: {  	_ =	swait.ge [sflag:s26], $0x8000  }
0xe3: {  	[sflag:s26] =	ssyncset.done $0x0  }
0xe4: {  	[sflag:s26] =	ssyncadd.s32 $0xFFFF8000  }
.LBB2_4:
0xe5: {  	s18 =	sadd.s32 $0xFFFFFFFF, s18  }
0xe6: {  	p0 =	sne.s32 s18, $0x0  }
.Ltmp1:
0xe7: {  	_ = 	snop;
	(pc) =	sbr.rel @!p0 .LBB2_5-.Ltmp1, $1  }
0xe8: {  	_ =	sdelay $0x3  }
.LBB2_1:
0xe9: {  	s0 =	rddreg [dreg:$0xd];
	s13 =	simm.s32 $0x1  }
0xea: {  	[tilespmem:s3], [sflag:$0x1] =	stream.linear.gather [hbm4b:s0+s3], $0x80, $0x38;
	[tilespmem:$0x18100] =	vst v63  }
0xeb: {  	_ =	swait.ge [sflag:s13], $0x80  }
0xec: {  	[sflag:s13] =	ssyncset.done $0x0  }
0xed: {  	[sflag:s13] =	ssyncadd.s32 $0xFFFFFF80  }
0xee: {  	v4 =	vld [tilespmem:$0x0];
	_ =	sdelay $0x4  }
0xef: {  	(v2sf) =	vpush v4, $0x0  }
0xf0: {  	(v2sf) =	vpush v4, $0x1;
	_ =	sdelay $0xd  }
0xf1: {  	s0 =	spop (v2sf)  }
0xf2: {  	s2 =	spop (v2sf)  }
0xf3: {  	p0 =	sne.s32 s2, $0x0  }
.Ltmp2:
0xf4: {  	_ = 	snop;
	(pc) =	sbr.rel @p0 .LBB2_3-.Ltmp2, $1  }
0xf5: {  	_ =	sdelay $0x3  }
0xf6: {  	s2 =	rddreg [dreg:$0x8]  }
0xf7: {  	s0 =	sadd.s32 s2, s0  }
0xf8: {  	s2 =	sshll.u32 s0, $0xA  }
0xf9: {  	s0 =	sshll.u32 s0, $0xD;
	s2 =	sand.u32 $0x1FFFFC00, s2  }
0xfa: {  	s13 =	sadd.s32 $0x4000, s0;
	s2 =	sadd.s32 s1, s2  }
0xfb: {  	[tilespmem:s20], [sflag:$0x2] =	stream.linear.gather [hbm4b:s2+s3], $0x4000, $0x38;
	[tilespmem:$0x18100] =	vst v63  }
0xfc: {  	s2 =	sshrl.u32 s13, $0x3  }
0xfd: {  	s5 =	simm.s32 $0x8100;
	s4 =	sadd.s32 $0xC000, s0;
	s2 =	sadd.s32 s1, s2  }
0xfe: {  	[tilespmem:s5], [sflag:$0x3] =	stream.linear.gather [hbm4b:s2+s3], $0x8000, $0x38;
	[tilespmem:$0x18100] =	vst v63  }
0xff: {  	s2 =	sshrl.u32 s4, $0x3  }
0x100: {  	s4 =	simm.s32 $0x10100;
	s2 =	sadd.s32 s1, s2  }
0x101: {  	[tilespmem:s4], [sflag:$0x4] =	stream.linear.gather [hbm4b:s2+s3], $0x8000, $0x38;
	[tilespmem:$0x18100] =	vst v63  }
0x102: {  	_ =	swait.ge [sflag:s23], $0x4000  }
0x103: {  	[sflag:s23] =	ssyncset.done $0x0  }
0x104: {  	s13 =	rddreg [dreg:$0xe];
	[sflag:s23] =	ssyncadd.s32 $0xFFFFC000  }
0x105: {  	[hbm4b:s13+s3] =	stream.linear.scatter [tilespmem:s20], [sflag:$0x5], $0x4000, $0x38;
	[tilespmem:$0x18100] =	vst v63  }
0x106: {  	_ =	swait.ge [sflag:s24], $0x8000  }
0x107: {  	[sflag:s24] =	ssyncset.done $0x0  }
0x108: {  	s13 =	rddreg [dreg:$0x9];
	[sflag:s24] =	ssyncadd.s32 $0xFFFF8000  }
0x109: {  	[hbm4b:s13+s3] =	stream.linear.scatter [tilespmem:s5], [sflag:$0x6], $0x8000, $0x38;
	[tilespmem:$0x18100] =	vst v63  }
0x10a: {  	_ =	swait.ge [sflag:s25], $0x8000  }
0x10b: {  	[sflag:s25] =	ssyncset.done $0x0  }
0x10c: {  	s13 =	rddreg [dreg:$0xa];
	[sflag:s25] =	ssyncadd.s32 $0xFFFF8000  }
0x10d: {  	[hbm4b:s13+s3] =	stream.linear.scatter [tilespmem:s4], [sflag:$0x7], $0x8000, $0x38;
	[tilespmem:$0x18100] =	vst v63  }
0x10e: {  	s13 =	sadd.s32 $0x14000, s0;
	_ =	swait.ge [sflag:s26], $0x4000  }
0x10f: {  	s2 =	sshrl.u32 s13, $0x3;
	[sflag:s26] =	ssyncset.done $0x0  }
0x110: {  	s2 =	sadd.s32 s1, s2;
	[sflag:s26] =	ssyncadd.s32 $0xFFFFC000  }
0x111: {  	[tilespmem:s20], [sflag:$0x2] =	stream.linear.gather [hbm4b:s2+s3], $0x8000, $0x38;
	[tilespmem:$0x18100] =	vst v63  }
0x112: {  	_ =	swait.ge [sflag:s23], $0x8000  }
0x113: {  	[sflag:s23] =	ssyncset.done $0x0  }
0x114: {  	s4 =	rddreg [dreg:$0xb];
	[sflag:s23] =	ssyncadd.s32 $0xFFFF8000  }
0x115: {  	[hbm4b:s4+s3] =	stream.linear.scatter [tilespmem:s20], [sflag:$0x5], $0x8000, $0x38;
	[tilespmem:$0x18100] =	vst v63  }
0x116: {  	s0 =	sadd.s32 $0x1C000, s0;
	_ =	swait.ge [sflag:s28], $0x8000  }
0x117: {  	s0 =	sshrl.u32 s0, $0x3;
	[sflag:s28] =	ssyncset.done $0x0  }
0x118: {  	s0 =	sadd.s32 s1, s0;
	[sflag:s28] =	ssyncadd.s32 $0xFFFF8000  }
0x119: {  	[tilespmem:s5], [sflag:$0x3] =	stream.linear.gather [hbm4b:s0+s3], $0x4000, $0x38;
	[tilespmem:$0x18100] =	vst v63  }
0x11a: {  	_ =	swait.ge [sflag:s24], $0x4000  }
0x11b: {  	[sflag:s24] =	ssyncset.done $0x0  }
0x11c: {  	s13 =	rddreg [dreg:$0xc];
	[sflag:s24] =	ssyncadd.s32 $0xFFFFC000  }
0x11d: {  	[hbm4b:s13+s3] =	stream.linear.scatter [tilespmem:s5], [sflag:$0x6], $0x4000, $0x38;
	[tilespmem:$0x18100] =	vst v63  }
0x11e: {  	_ =	swait.ge [sflag:s29], $0x8000  }
0x11f: {  	[sflag:s29] =	ssyncset.done $0x0  }
0x120: {  	[sflag:s29] =	ssyncadd.s32 $0xFFFF8000  }
0x121: {  	_ =	swait.ge [sflag:s26], $0x8000  }
.Ltmp3:
0x122: {  	[sflag:s26] =	ssyncset.done $0x0;
	(pc) =	sbr.rel .LBB2_4-.Ltmp3, $4  }
0x123: {  	[sflag:s26] =	ssyncadd.s32 $0xFFFF8000  }
0x124: {  	_ =	swait.ge [sflag:s28], $0x4000  }
0x125: {  	[sflag:s28] =	ssyncset.done $0x0  }
0x126: {  	[sflag:s28] =	ssyncadd.s32 $0xFFFFC000  }
.LBB2_5:
0x127: {  	_ =	sfence.sel $0x180000  }
0x128: {  	[bflag:$0x0] =	sbarrier.arrive $0xFFFF  }
0x129: {  	_ =	strace $0x90000047  }
0x12a: {  	s0 =	stileid.u32;
	[bflag:$0x2] =	sbarrier.arrive $0xFFFF  }
0x12b: {  	p0 =	sne.s32 s0, $0x0;
	s0 =	rddreg [dreg:$0x3]  }
0x12c: {  	s0 =	sadd.s32 @!p0 $0x100000, s0  }
0x12d: {  	[sflag:s0] =	ssyncadd.tile.s32 @!p0 $0x1;
	_ =	shalt  }
.Lfunc_end2:
_tile_overlayer_lowered:
.L_overlay_start_2:
0x12e: {  	(tag) =	ssettag $0x2  }
0x12f: {  	s0 =	rddreg [dreg:$0x0];
	s2 =	stileid.u32  }
0x130: {  	s1 =	rddreg [dreg:$0x1];
	p0 =	sne.s32 s2, $0x0  }
0x131: {  	s3 =	rddreg [dreg:$0x2];
	[bflag:$0x3] =	sbarrier.arrive $0xFFFF;
	s2 =	simm.s32 @!p0 $0x1C08  }
0x132: {  	[timem:s3], [sflag:s2] =	dma.local @!p0 [hbm:s0], s1  }
0x133: {  	s0 =	simm.s32 @!p0 $0x8  }
0x134: {  	_ =	swait.ge @!p0 [sflag:s0], s1  }
0x135: {  	s1 =	ssub.s32 @!p0 $0x0, s1;
	[sflag:s0] =	ssyncset.done @!p0 $0x0  }
0x136: {  	[sflag:s0] =	ssyncadd.s32 @!p0 s1  }
0x137: {  	[bflag:$0x3] =	sbarrier.arrive $0xFFFF  }
0x138: {  	_ =	shalt  }

</sc_bundles>
